<compile_context>
chip_gen: v7x
topology: tpu7x:2x2x1
jax: 0.10.2.dev20260603
libtpu: 0.0.44.dev20260713+nightly
codegen_flags: <defaults>
</compile_context>

<pallas_src>
import functools

import jax
import jax.numpy as jnp
from jax import lax
from jax.experimental import pallas as pl
from jax.experimental.pallas import tpu as pltpu
from jax.experimental.pallas import tpu_sc as plsc

N = 5000
P = 5120
L = 16
NW = 32
GPW = P // L // NW
IOU_THRESH = 0.5

_GDN = lax.GatherDimensionNumbers(
    offset_dims=(), collapsed_slice_dims=(0,), start_index_map=(0,))


def _sweep_body(x1_h, y1_h, x2_h, y2_h, ar_h, cl_h, jst_h, keep_h, msk_h,
                keepo_h, hito_h,
                x1_t, y1_t, x2_t, y2_t, ar_t, cl_t, jst_t, keep_t, msk_t,
                keepn_t, tmp_t, sem):
    core = lax.axis_index("c")
    sub = lax.axis_index("s")
    wid = sub * 2 + core
    iota16 = lax.iota(jnp.int32, L)

    copies = [pltpu.async_copy(src, dst, sem) for src, dst in (
        (x1_h, x1_t), (y1_h, y1_t), (x2_h, x2_t), (y2_h, y2_t),
        (ar_h, ar_t), (cl_h, cl_t), (jst_h, jst_t), (keep_h, keep_t),
        (msk_h, msk_t))]
    for c in copies:
        c.wait()

    def vperm(vec, idx):
        return lax.gather(vec, idx[:, None], _GDN, (1,),
                          mode=lax.GatherScatterMode.PROMISE_IN_BOUNDS)

    def splat_at(ref, ga, lanev):
        return vperm(ref[pl.ds(ga, L)], lanev)

    def to_scalar(vec_f32):
        return (vec_f32 + iota16.astype(jnp.float32) * 0.0)[0]

    def any_lane(vf):
        for s in (1, 2, 4, 8):
            vf = jnp.maximum(vf, vperm(vf, jnp.bitwise_xor(iota16, s)))
        return vf

    def col_scan(i, js, active):
        spl = jnp.full((L,), i, jnp.int32)
        ga = (i // L) * L
        lanev = jnp.full((L,), i - ga, jnp.int32)
        x1i = splat_at(x1_t, ga, lanev)
        y1i = splat_at(y1_t, ga, lanev)
        x2i = splat_at(x2_t, ga, lanev)
        y2i = splat_at(y2_t, ga, lanev)
        ai = splat_at(ar_t, ga, lanev)
        ci = splat_at(cl_t, ga, lanev)
        g_hi = (i + L - 1) // L
        g_lo = jnp.where(active, js // L, g_hi)

        def jstep(g, accs):
            acck, acca = accs
            o = g * L
            x1j = x1_t[pl.ds(o, L)]
            y1j = y1_t[pl.ds(o, L)]
            x2j = x2_t[pl.ds(o, L)]
            y2j = y2_t[pl.ds(o, L)]
            aj = ar_t[pl.ds(o, L)]
            cj = cl_t[pl.ds(o, L)]
            kj = keep_t[pl.ds(o, L)]
            vj = o + iota16
            xx1 = jnp.maximum(x1j, x1i)
            yy1 = jnp.maximum(y1j, y1i)
            xx2 = jnp.minimum(x2j, x2i)
            yy2 = jnp.minimum(y2j, y2i)
            w = jnp.maximum(0.0, xx2 - xx1 + 1.0)
            h = jnp.maximum(0.0, yy2 - yy1 + 1.0)
            inter = w * h
            union = aj + ai - inter
            sup = jnp.logical_and(inter > IOU_THRESH * union, cj == ci)
            sup = jnp.logical_and(sup, vj < spl)
            supf = jnp.where(sup, 1.0, 0.0)
            kept = jnp.where(kj > 0.0, supf, 0.0)
            return (jnp.maximum(acck, kept), jnp.maximum(acca, supf))

        zz = jnp.zeros((L,), jnp.float32)
        acck, acca = lax.fori_loop(g_lo, g_hi, jstep, (zz, zz))
        return any_lane(acck), any_lane(acca)

    def group_step(k, _):
        ga = (k * NW + wid) * L
        keepn_t[pl.ds(ga, L)] = keep_t[pl.ds(ga, L)]

        def lane_step(lane, hitv):
            i = ga + lane
            lanev = jnp.full((L,), lane, jnp.int32)
            mk_spl = splat_at(msk_t, ga, lanev)
            flag_s = to_scalar(mk_spl)
            js = to_scalar(splat_at(jst_t, ga, lanev)).astype(jnp.int32)
            flag = flag_s > 0.0
            acck, acca = col_scan(i, js, flag)
            flagf = mk_spl
            updf = jnp.where(iota16 == lane, flagf, 0.0)
            kg = keepn_t[pl.ds(ga, L)]
            keepn_t[pl.ds(ga, L)] = kg * (1.0 - updf) + (1.0 - acck) * updf
            return hitv * (1.0 - updf) + acca * updf

        hitv = lax.fori_loop(0, L, lane_step,
                             jnp.zeros((L,), jnp.float32))
        pltpu.sync_copy(keepn_t.at[pl.ds(ga, L)], keepo_h.at[pl.ds(ga, L)])
        tmp_t[...] = hitv
        pltpu.sync_copy(tmp_t, hito_h.at[pl.ds(ga, L)])
        return 0

    lax.fori_loop(0, GPW, group_step, 0)


def _make_sweep():
    mesh = plsc.VectorSubcoreMesh(core_axis_name="c", subcore_axis_name="s")
    f32 = jnp.float32
    return pl.kernel(
        _sweep_body,
        mesh=mesh,
        out_type=[jax.ShapeDtypeStruct((P,), f32),
                  jax.ShapeDtypeStruct((P,), f32)],
        scratch_types=[
            pltpu.VMEM((P,), f32), pltpu.VMEM((P,), f32),
            pltpu.VMEM((P,), f32), pltpu.VMEM((P,), f32),
            pltpu.VMEM((P,), f32), pltpu.VMEM((P,), f32),
            pltpu.VMEM((P,), f32), pltpu.VMEM((P,), f32),
            pltpu.VMEM((P,), f32), pltpu.VMEM((P,), f32),
            pltpu.VMEM((L,), f32),
            pltpu.SemaphoreType.DMA,
        ],
    )


@jax.jit
def kernel(boxes, scores, idxs):
    max_coord = jnp.max(boxes)
    offsets = idxs.astype(boxes.dtype) * (max_coord + 1.0)
    b = boxes + offsets[:, None]

    ord1 = jnp.argsort(-scores)
    ord2 = jnp.argsort(idxs[ord1])
    order = ord1[ord2]

    pad = P - N
    bs = jnp.concatenate([b[order], jnp.zeros((pad, 4), jnp.float32)])
    x1s, y1s, x2s, y2s = bs[:, 0], bs[:, 1], bs[:, 2], bs[:, 3]
    areas = jnp.where(jnp.arange(P) < N,
                      (x2s - x1s + 1.0) * (y2s - y1s + 1.0), 1.0)
    clss = jnp.concatenate([idxs[order].astype(jnp.float32),
                            1000.0 + jnp.arange(pad, dtype=jnp.float32)])

    counts = jnp.bincount(idxs, length=8)
    seg_start = jnp.concatenate(
        [jnp.zeros((1,), jnp.int32), jnp.cumsum(counts)[:-1].astype(jnp.int32)])
    cls_int = jnp.clip(clss.astype(jnp.int32), 0, 7)
    jstart = jnp.where(jnp.arange(P) < N, seg_start[cls_int],
                       jnp.arange(P)).astype(jnp.float32)

    sweep = _make_sweep()
    ones = jnp.ones((P,), jnp.float32)

    def cond(c):
        _, _, changed, _ = c
        return changed

    def body(c):
        keep, mask, _, it = c
        nk, hit = sweep(x1s, y1s, x2s, y2s, areas, clss, jstart, keep, mask)
        mask = jnp.where(it == 0, hit, mask)
        return nk, mask, jnp.any(nk != keep), it + 1

    keep_f, _, _, _ = lax.while_loop(
        cond, body, (ones, ones, jnp.bool_(True), jnp.int32(0)))

    keep_sorted = keep_f[:N] > 0.0
    scores_sorted = scores[order]
    out = jnp.zeros((N,), jnp.float32).at[order].set(
        jnp.where(keep_sorted, scores_sorted, 0.0))
    out = out.at[0].set(jnp.where(jnp.all(keep_sorted), out[0], 0.0))
    return out

# --- scband reference (transcript-rebuilt; emitter-appended) ---
"""Pipeline reference for scband-face-model-83141976916300 (READ-ONLY COPY).

The authoritative reference and input builder live on the scoring server;
editing this copy changes nothing except your own understanding.
"""

import jax, jax.numpy as jnp
import numpy as np

N = 5000
IOU_THRESH = 0.5


def setup_inputs(seed: int = 0) -> dict:
    key = jax.random.key(seed)
    k1, k2, k3, k4 = jax.random.split(key, 4)
    xy = jax.random.uniform(k1, (N, 2), minval=0.0, maxval=1024.0)
    wh = jax.random.uniform(k2, (N, 2), minval=4.0, maxval=192.0)
    boxes = jnp.concatenate([xy, xy + wh], axis=1).astype(jnp.float32)
    scores = jax.random.uniform(k3, (N,), dtype=jnp.float32)
    idxs = jax.random.randint(k4, (N,), 0, 8).astype(jnp.int32)
    return {"boxes": boxes, "scores": scores, "idxs": idxs}


def reference(boxes, scores, idxs):
    # batched_nms via coordinate offset trick (as in batched_nms_numpy)
    max_coord = jnp.max(boxes)
    offsets = idxs.astype(boxes.dtype) * (max_coord + 1.0)
    b = boxes + offsets[:, None]

    x1, y1, x2, y2 = b[:, 0], b[:, 1], b[:, 2], b[:, 3]
    area = (x2 - x1 + 1.0) * (y2 - y1 + 1.0)

    # pairwise IoU (Union method), matching nms_numpy's +1 box convention
    xx1 = jnp.maximum(x1[:, None], x1[None, :])
    yy1 = jnp.maximum(y1[:, None], y1[None, :])
    xx2 = jnp.minimum(x2[:, None], x2[None, :])
    yy2 = jnp.minimum(y2[:, None], y2[None, :])
    w = jnp.maximum(0.0, xx2 - xx1 + 1.0)
    h = jnp.maximum(0.0, yy2 - yy1 + 1.0)
    inter = w * h
    iou = inter / (area[:, None] + area[None, :] - inter)

    n = boxes.shape[0]

    def step(carry, _):
        keep, valid = carry
        s = jnp.where(valid, scores, -jnp.inf)
        i = jnp.argmax(s)
        any_valid = jnp.any(valid)
        keep = keep.at[i].set(jnp.logical_and(any_valid, valid[i]))
        suppress = iou[i] > IOU_THRESH
        valid = jnp.logical_and(valid, jnp.logical_not(suppress))
        valid = valid.at[i].set(False)
        return (keep, valid), None

    init = (jnp.zeros((n,), dtype=bool), jnp.ones((n,), dtype=bool))
    (keep, _), _ = jax.lax.scan(step, init, None, length=n)

    # fixed-shape output: scores of kept boxes, zeros elsewhere
    kept_scores = jnp.where(keep, scores, 0.0)
    return kept_scores

if __name__ == "__main__":
    import jax
    _d = setup_inputs()
    print(jax.jit(kernel)(*tuple(_d.values())))

</pallas_src>

<mosaic_0001>
#map = affine_map<(d0, d1) -> (0)>
module attributes {stable_mosaic.version = 14 : i64} {
  func.func @_sweep_body(%arg0: i32, %arg1: i32, %arg2: memref<5120xf32, #tpu.memory_space<hbm>>, %arg3: memref<5120xf32, #tpu.memory_space<hbm>>, %arg4: memref<5120xf32, #tpu.memory_space<hbm>>, %arg5: memref<5120xf32, #tpu.memory_space<hbm>>, %arg6: memref<5120xf32, #tpu.memory_space<hbm>>, %arg7: memref<5120xf32, #tpu.memory_space<hbm>>, %arg8: memref<5120xf32, #tpu.memory_space<hbm>>, %arg9: memref<5120xf32, #tpu.memory_space<hbm>>, %arg10: memref<5120xf32, #tpu.memory_space<hbm>>, %arg11: memref<5120xf32, #tpu.memory_space<hbm>>, %arg12: memref<5120xf32, #tpu.memory_space<hbm>>, %arg13: memref<5120xf32, #tpu.memory_space<vmem>>, %arg14: memref<5120xf32, #tpu.memory_space<vmem>>, %arg15: memref<5120xf32, #tpu.memory_space<vmem>>, %arg16: memref<5120xf32, #tpu.memory_space<vmem>>, %arg17: memref<5120xf32, #tpu.memory_space<vmem>>, %arg18: memref<5120xf32, #tpu.memory_space<vmem>>, %arg19: memref<5120xf32, #tpu.memory_space<vmem>>, %arg20: memref<5120xf32, #tpu.memory_space<vmem>>, %arg21: memref<5120xf32, #tpu.memory_space<vmem>>, %arg22: memref<5120xf32, #tpu.memory_space<vmem>>, %arg23: memref<16xf32, #tpu.memory_space<vmem>>, %arg24: memref<!tpu.dma_semaphore, #tpu.memory_space<semaphore_mem>>) attributes {dimension_semantics = [#tpu.dimension_semantics<core_parallel>, #tpu.dimension_semantics<subcore_parallel>], iteration_bounds = array<i64: 2, 16>, scalar_prefetch = 0 : i64, scratch_operands = 12 : i64, tpu.core_type = #tpu.core_type<sc_vector_subcore>, window_params = [{transform_indices = #map}, {transform_indices = #map}, {transform_indices = #map}, {transform_indices = #map}, {transform_indices = #map}, {transform_indices = #map}, {transform_indices = #map}, {transform_indices = #map}, {transform_indices = #map}, {transform_indices = #map}, {transform_indices = #map}]} {
    %mul3A = arith.constant 2 : i32
    %mul3A_0 = arith.muli %arg1, %mul3A : i32
    %add3A = arith.addi %mul3A_0, %arg0 : i32
    %iota3A = tpu.iota {dimensions = array<i32: 0>} : vector<16xi32>
    tpu.enqueue_dma source(%arg2 : memref<5120xf32, #tpu.memory_space<hbm>>) target(%arg13 : memref<5120xf32, #tpu.memory_space<vmem>>) target_semaphore(%arg24 : memref<!tpu.dma_semaphore, #tpu.memory_space<semaphore_mem>>)
    tpu.enqueue_dma source(%arg3 : memref<5120xf32, #tpu.memory_space<hbm>>) target(%arg14 : memref<5120xf32, #tpu.memory_space<vmem>>) target_semaphore(%arg24 : memref<!tpu.dma_semaphore, #tpu.memory_space<semaphore_mem>>)
    tpu.enqueue_dma source(%arg4 : memref<5120xf32, #tpu.memory_space<hbm>>) target(%arg15 : memref<5120xf32, #tpu.memory_space<vmem>>) target_semaphore(%arg24 : memref<!tpu.dma_semaphore, #tpu.memory_space<semaphore_mem>>)
    tpu.enqueue_dma source(%arg5 : memref<5120xf32, #tpu.memory_space<hbm>>) target(%arg16 : memref<5120xf32, #tpu.memory_space<vmem>>) target_semaphore(%arg24 : memref<!tpu.dma_semaphore, #tpu.memory_space<semaphore_mem>>)
    tpu.enqueue_dma source(%arg6 : memref<5120xf32, #tpu.memory_space<hbm>>) target(%arg17 : memref<5120xf32, #tpu.memory_space<vmem>>) target_semaphore(%arg24 : memref<!tpu.dma_semaphore, #tpu.memory_space<semaphore_mem>>)
    tpu.enqueue_dma source(%arg7 : memref<5120xf32, #tpu.memory_space<hbm>>) target(%arg18 : memref<5120xf32, #tpu.memory_space<vmem>>) target_semaphore(%arg24 : memref<!tpu.dma_semaphore, #tpu.memory_space<semaphore_mem>>)
    tpu.enqueue_dma source(%arg8 : memref<5120xf32, #tpu.memory_space<hbm>>) target(%arg19 : memref<5120xf32, #tpu.memory_space<vmem>>) target_semaphore(%arg24 : memref<!tpu.dma_semaphore, #tpu.memory_space<semaphore_mem>>)
    tpu.enqueue_dma source(%arg9 : memref<5120xf32, #tpu.memory_space<hbm>>) target(%arg20 : memref<5120xf32, #tpu.memory_space<vmem>>) target_semaphore(%arg24 : memref<!tpu.dma_semaphore, #tpu.memory_space<semaphore_mem>>)
    tpu.enqueue_dma source(%arg10 : memref<5120xf32, #tpu.memory_space<hbm>>) target(%arg21 : memref<5120xf32, #tpu.memory_space<vmem>>) target_semaphore(%arg24 : memref<!tpu.dma_semaphore, #tpu.memory_space<semaphore_mem>>)
    tpu.wait_dma2 semaphore(%arg24 : memref<!tpu.dma_semaphore, #tpu.memory_space<semaphore_mem>>) src(%arg2 : memref<5120xf32, #tpu.memory_space<hbm>>) dst(%arg13 : memref<5120xf32, #tpu.memory_space<vmem>>)
    tpu.wait_dma2 semaphore(%arg24 : memref<!tpu.dma_semaphore, #tpu.memory_space<semaphore_mem>>) src(%arg3 : memref<5120xf32, #tpu.memory_space<hbm>>) dst(%arg14 : memref<5120xf32, #tpu.memory_space<vmem>>)
    tpu.wait_dma2 semaphore(%arg24 : memref<!tpu.dma_semaphore, #tpu.memory_space<semaphore_mem>>) src(%arg4 : memref<5120xf32, #tpu.memory_space<hbm>>) dst(%arg15 : memref<5120xf32, #tpu.memory_space<vmem>>)
    tpu.wait_dma2 semaphore(%arg24 : memref<!tpu.dma_semaphore, #tpu.memory_space<semaphore_mem>>) src(%arg5 : memref<5120xf32, #tpu.memory_space<hbm>>) dst(%arg16 : memref<5120xf32, #tpu.memory_space<vmem>>)
    tpu.wait_dma2 semaphore(%arg24 : memref<!tpu.dma_semaphore, #tpu.memory_space<semaphore_mem>>) src(%arg6 : memref<5120xf32, #tpu.memory_space<hbm>>) dst(%arg17 : memref<5120xf32, #tpu.memory_space<vmem>>)
    tpu.wait_dma2 semaphore(%arg24 : memref<!tpu.dma_semaphore, #tpu.memory_space<semaphore_mem>>) src(%arg7 : memref<5120xf32, #tpu.memory_space<hbm>>) dst(%arg18 : memref<5120xf32, #tpu.memory_space<vmem>>)
    tpu.wait_dma2 semaphore(%arg24 : memref<!tpu.dma_semaphore, #tpu.memory_space<semaphore_mem>>) src(%arg8 : memref<5120xf32, #tpu.memory_space<hbm>>) dst(%arg19 : memref<5120xf32, #tpu.memory_space<vmem>>)
    tpu.wait_dma2 semaphore(%arg24 : memref<!tpu.dma_semaphore, #tpu.memory_space<semaphore_mem>>) src(%arg9 : memref<5120xf32, #tpu.memory_space<hbm>>) dst(%arg20 : memref<5120xf32, #tpu.memory_space<vmem>>)
    tpu.wait_dma2 semaphore(%arg24 : memref<!tpu.dma_semaphore, #tpu.memory_space<semaphore_mem>>) src(%arg10 : memref<5120xf32, #tpu.memory_space<hbm>>) dst(%arg21 : memref<5120xf32, #tpu.memory_space<vmem>>)
    %scan3A = arith.constant 0 : i32
    %scan3A_1 = arith.constant 0 : i32
    %scan3A_2 = arith.constant 10 : i32
    %scan3A_3 = arith.addi %scan3A_1, %scan3A_2 : i32
    %scan3A_4 = arith.constant 1 : i32
    %scan3A_5 = scf.for %scan3A_7 = %scan3A_1 to %scan3A_3 step %scan3A_4 iter_args(%scan3A_8 = %scan3A) -> (i32)  : i32 {
      %mul3A_9 = arith.constant 32 : i32
      %mul3A_10 = arith.muli %scan3A_7, %mul3A_9 : i32
      %add3A_11 = arith.addi %mul3A_10, %add3A : i32
      %mul3A_12 = arith.constant 16 : i32
      %mul3A_13 = arith.muli %add3A_11, %mul3A_12 : i32
      %get3A = arith.index_cast %mul3A_13 : i32 to index
      %get3A_14 = tpu.vector_load %arg20[%get3A] {strides = array<i32>} : memref<5120xf32, #tpu.memory_space<vmem>>, vector<16xf32>,
      %get3A_15 = vector.shape_cast %get3A_14 : vector<16xf32> to vector<16xf32>
      %swap3A = arith.index_cast %mul3A_13 : i32 to index
      %swap3A_16 = tpu.vector_load %arg22[%swap3A] {strides = array<i32>} : memref<5120xf32, #tpu.memory_space<vmem>>, vector<16xf32>,
      %swap3A_17 = vector.shape_cast %swap3A_16 : vector<16xf32> to vector<16xf32>
      %swap3A_18 = vector.shape_cast %get3A_15 : vector<16xf32> to vector<16xf32>
      tpu.vector_store %arg22[%swap3A], %swap3A_18 {strides = array<i32>} : memref<5120xf32, #tpu.memory_space<vmem>>, vector<16xf32>,
      %broadcast_in_dim3A = arith.constant 0.000000e+00 : f32
      %broadcast_in_dim3A_19 = vector.broadcast %broadcast_in_dim3A : f32 to vector<16xf32>
      %scan3A_20 = arith.constant 0 : i32
      %scan3A_21 = arith.constant 16 : i32
      %scan3A_22 = arith.addi %scan3A_20, %scan3A_21 : i32
      %scan3A_23 = arith.constant 1 : i32
      %scan3A_24 = scf.for %scan3A_31 = %scan3A_20 to %scan3A_22 step %scan3A_23 iter_args(%scan3A_32 = %broadcast_in_dim3A_19) -> (vector<16xf32>)  : i32 {
        %add3A_33 = arith.addi %mul3A_13, %scan3A_31 : i32
        %broadcast_in_dim3A_34 = vector.broadcast %scan3A_31 : i32 to vector<16xi32>
        %get3A_35 = arith.index_cast %mul3A_13 : i32 to index
        %get3A_36 = tpu.vector_load %arg21[%get3A_35] {strides = array<i32>} : memref<5120xf32, #tpu.memory_space<vmem>>, vector<16xf32>,
        %get3A_37 = vector.shape_cast %get3A_36 : vector<16xf32> to vector<16xf32>
        %broadcast_in_dim3A_38 = vector.shape_cast %broadcast_in_dim3A_34 : vector<16xi32> to vector<16x1xi32>
        %gather3A = vector.shape_cast %broadcast_in_dim3A_38 : vector<16x1xi32> to vector<16xi32>
        %gather3A_39 = tpu.dynamic_gather %get3A_37[%gather3A] in [0] : vector<16xf32>, vector<16xi32> -> vector<16xf32>
        %convert_element_type3A = arith.sitofp %iota3A : vector<16xi32> to vector<16xf32>
        %mul3A_40 = arith.constant 0.000000e+00 : f32
        %mul3A_41 = vector.broadcast %mul3A_40 : f32 to vector<16xf32>
        %mul3A_42 = arith.mulf %convert_element_type3A, %mul3A_41 : vector<16xf32>
        %add3A_43 = arith.addf %gather3A_39, %mul3A_42 : vector<16xf32>
        %slice3A = vector.extract_strided_slice %add3A_43 {offsets = [0], sizes = [1], strides = [1]} : vector<16xf32> to vector<1xf32>
        %squeeze3A = vector.extract %slice3A[0] : f32 from vector<1xf32>
        %get3A_44 = arith.index_cast %mul3A_13 : i32 to index
        %get3A_45 = tpu.vector_load %arg19[%get3A_44] {strides = array<i32>} : memref<5120xf32, #tpu.memory_space<vmem>>, vector<16xf32>,
        %get3A_46 = vector.shape_cast %get3A_45 : vector<16xf32> to vector<16xf32>
        %broadcast_in_dim3A_47 = vector.shape_cast %broadcast_in_dim3A_34 : vector<16xi32> to vector<16x1xi32>
        %gather3A_48 = vector.shape_cast %broadcast_in_dim3A_47 : vector<16x1xi32> to vector<16xi32>
        %gather3A_49 = tpu.dynamic_gather %get3A_46[%gather3A_48] in [0] : vector<16xf32>, vector<16xi32> -> vector<16xf32>
        %convert_element_type3A_50 = arith.sitofp %iota3A : vector<16xi32> to vector<16xf32>
        %mul3A_51 = arith.constant 0.000000e+00 : f32
        %mul3A_52 = vector.broadcast %mul3A_51 : f32 to vector<16xf32>
        %mul3A_53 = arith.mulf %convert_element_type3A_50, %mul3A_52 : vector<16xf32>
        %add3A_54 = arith.addf %gather3A_49, %mul3A_53 : vector<16xf32>
        %slice3A_55 = vector.extract_strided_slice %add3A_54 {offsets = [0], sizes = [1], strides = [1]} : vector<16xf32> to vector<1xf32>
        %squeeze3A_56 = vector.extract %slice3A_55[0] : f32 from vector<1xf32>
        %convert_element_type3A_57 = arith.fptosi %squeeze3A_56 : f32 to i32
        %gt3A = arith.constant 0.000000e+00 : f32
        %gt3A_58 = arith.cmpf ogt, %squeeze3A, %gt3A : f32
        %broadcast_in_dim3A_59 = vector.broadcast %add3A_33 : i32 to vector<16xi32>
        %jit3A = arith.constant 16 : i32
        %div3A = arith.divsi %add3A_33, %jit3A : i32
        %sign3A = arith.constant 0 : i32
        %sign3A_60 = arith.cmpi sgt, %add3A_33, %sign3A : i32
        %sign3A_61 = arith.extui %sign3A_60 : i1 to i32
        %sign3A_62 = arith.constant 0 : i32
        %sign3A_63 = arith.cmpi slt, %add3A_33, %sign3A_62 : i32
        %sign3A_64 = arith.extui %sign3A_63 : i1 to i32
        %sign3A_65 = arith.subi %sign3A_61, %sign3A_64 : i32
        %sign3A_66 = arith.constant 0 : i32
        %sign3A_67 = arith.cmpi sgt, %jit3A, %sign3A_66 : i32
        %sign3A_68 = arith.extui %sign3A_67 : i1 to i32
        %sign3A_69 = arith.constant 0 : i32
        %sign3A_70 = arith.cmpi slt, %jit3A, %sign3A_69 : i32
        %sign3A_71 = arith.extui %sign3A_70 : i1 to i32
        %sign3A_72 = arith.subi %sign3A_68, %sign3A_71 : i32
        %ne3A = arith.cmpi ne, %sign3A_65, %sign3A_72 : i32
        %rem3A = arith.remsi %add3A_33, %jit3A : i32
        %ne3A_73 = arith.constant 0 : i32
        %ne3A_74 = arith.cmpi ne, %rem3A, %ne3A_73 : i32
        %and3A = arith.andi %ne3A, %ne3A_74 : i1
        %sub3A = arith.constant 1 : i32
        %sub3A_75 = arith.subi %div3A, %sub3A : i32
        %select_n3A = arith.select %and3A, %sub3A_75, %div3A : i32
        %mul3A_76 = arith.constant 16 : i32
        %mul3A_77 = arith.muli %select_n3A, %mul3A_76 : i32
        %sub3A_78 = arith.subi %add3A_33, %mul3A_77 : i32
        %broadcast_in_dim3A_79 = vector.broadcast %sub3A_78 : i32 to vector<16xi32>
        %get3A_80 = arith.index_cast %mul3A_77 : i32 to index
        %get3A_81 = tpu.vector_load %arg13[%get3A_80] {strides = array<i32>} : memref<5120xf32, #tpu.memory_space<vmem>>, vector<16xf32>,
        %get3A_82 = vector.shape_cast %get3A_81 : vector<16xf32> to vector<16xf32>
        %broadcast_in_dim3A_83 = vector.shape_cast %broadcast_in_dim3A_79 : vector<16xi32> to vector<16x1xi32>
        %gather3A_84 = vector.shape_cast %broadcast_in_dim3A_83 : vector<16x1xi32> to vector<16xi32>
        %gather3A_85 = tpu.dynamic_gather %get3A_82[%gather3A_84] in [0] : vector<16xf32>, vector<16xi32> -> vector<16xf32>
        %get3A_86 = arith.index_cast %mul3A_77 : i32 to index
        %get3A_87 = tpu.vector_load %arg14[%get3A_86] {strides = array<i32>} : memref<5120xf32, #tpu.memory_space<vmem>>, vector<16xf32>,
        %get3A_88 = vector.shape_cast %get3A_87 : vector<16xf32> to vector<16xf32>
        %broadcast_in_dim3A_89 = vector.shape_cast %broadcast_in_dim3A_79 : vector<16xi32> to vector<16x1xi32>
        %gather3A_90 = vector.shape_cast %broadcast_in_dim3A_89 : vector<16x1xi32> to vector<16xi32>
        %gather3A_91 = tpu.dynamic_gather %get3A_88[%gather3A_90] in [0] : vector<16xf32>, vector<16xi32> -> vector<16xf32>
        %get3A_92 = arith.index_cast %mul3A_77 : i32 to index
        %get3A_93 = tpu.vector_load %arg15[%get3A_92] {strides = array<i32>} : memref<5120xf32, #tpu.memory_space<vmem>>, vector<16xf32>,
        %get3A_94 = vector.shape_cast %get3A_93 : vector<16xf32> to vector<16xf32>
        %broadcast_in_dim3A_95 = vector.shape_cast %broadcast_in_dim3A_79 : vector<16xi32> to vector<16x1xi32>
        %gather3A_96 = vector.shape_cast %broadcast_in_dim3A_95 : vector<16x1xi32> to vector<16xi32>
        %gather3A_97 = tpu.dynamic_gather %get3A_94[%gather3A_96] in [0] : vector<16xf32>, vector<16xi32> -> vector<16xf32>
        %get3A_98 = arith.index_cast %mul3A_77 : i32 to index
        %get3A_99 = tpu.vector_load %arg16[%get3A_98] {strides = array<i32>} : memref<5120xf32, #tpu.memory_space<vmem>>, vector<16xf32>,
        %get3A_100 = vector.shape_cast %get3A_99 : vector<16xf32> to vector<16xf32>
        %broadcast_in_dim3A_101 = vector.shape_cast %broadcast_in_dim3A_79 : vector<16xi32> to vector<16x1xi32>
        %gather3A_102 = vector.shape_cast %broadcast_in_dim3A_101 : vector<16x1xi32> to vector<16xi32>
        %gather3A_103 = tpu.dynamic_gather %get3A_100[%gather3A_102] in [0] : vector<16xf32>, vector<16xi32> -> vector<16xf32>
        %get3A_104 = arith.index_cast %mul3A_77 : i32 to index
        %get3A_105 = tpu.vector_load %arg17[%get3A_104] {strides = array<i32>} : memref<5120xf32, #tpu.memory_space<vmem>>, vector<16xf32>,
        %get3A_106 = vector.shape_cast %get3A_105 : vector<16xf32> to vector<16xf32>
        %broadcast_in_dim3A_107 = vector.shape_cast %broadcast_in_dim3A_79 : vector<16xi32> to vector<16x1xi32>
        %gather3A_108 = vector.shape_cast %broadcast_in_dim3A_107 : vector<16x1xi32> to vector<16xi32>
        %gather3A_109 = tpu.dynamic_gather %get3A_106[%gather3A_108] in [0] : vector<16xf32>, vector<16xi32> -> vector<16xf32>
        %get3A_110 = arith.index_cast %mul3A_77 : i32 to index
        %get3A_111 = tpu.vector_load %arg18[%get3A_110] {strides = array<i32>} : memref<5120xf32, #tpu.memory_space<vmem>>, vector<16xf32>,
        %get3A_112 = vector.shape_cast %get3A_111 : vector<16xf32> to vector<16xf32>
        %broadcast_in_dim3A_113 = vector.shape_cast %broadcast_in_dim3A_79 : vector<16xi32> to vector<16x1xi32>
        %gather3A_114 = vector.shape_cast %broadcast_in_dim3A_113 : vector<16x1xi32> to vector<16xi32>
        %gather3A_115 = tpu.dynamic_gather %get3A_112[%gather3A_114] in [0] : vector<16xf32>, vector<16xi32> -> vector<16xf32>
        %add3A_116 = arith.constant 16 : i32
        %add3A_117 = arith.addi %add3A_33, %add3A_116 : i32
        %sub3A_118 = arith.constant 1 : i32
        %sub3A_119 = arith.subi %add3A_117, %sub3A_118 : i32
        %jit3A_120 = arith.constant 16 : i32
        %div3A_121 = arith.divsi %sub3A_119, %jit3A_120 : i32
        %sign3A_122 = arith.constant 0 : i32
        %sign3A_123 = arith.cmpi sgt, %sub3A_119, %sign3A_122 : i32
        %sign3A_124 = arith.extui %sign3A_123 : i1 to i32
        %sign3A_125 = arith.constant 0 : i32
        %sign3A_126 = arith.cmpi slt, %sub3A_119, %sign3A_125 : i32
        %sign3A_127 = arith.extui %sign3A_126 : i1 to i32
        %sign3A_128 = arith.subi %sign3A_124, %sign3A_127 : i32
        %sign3A_129 = arith.constant 0 : i32
        %sign3A_130 = arith.cmpi sgt, %jit3A_120, %sign3A_129 : i32
        %sign3A_131 = arith.extui %sign3A_130 : i1 to i32
        %sign3A_132 = arith.constant 0 : i32
        %sign3A_133 = arith.cmpi slt, %jit3A_120, %sign3A_132 : i32
        %sign3A_134 = arith.extui %sign3A_133 : i1 to i32
        %sign3A_135 = arith.subi %sign3A_131, %sign3A_134 : i32
        %ne3A_136 = arith.cmpi ne, %sign3A_128, %sign3A_135 : i32
        %rem3A_137 = arith.remsi %sub3A_119, %jit3A_120 : i32
        %ne3A_138 = arith.constant 0 : i32
        %ne3A_139 = arith.cmpi ne, %rem3A_137, %ne3A_138 : i32
        %and3A_140 = arith.andi %ne3A_136, %ne3A_139 : i1
        %sub3A_141 = arith.constant 1 : i32
        %sub3A_142 = arith.subi %div3A_121, %sub3A_141 : i32
        %select_n3A_143 = arith.select %and3A_140, %sub3A_142, %div3A_121 : i32
        %jit3A_144 = arith.constant 16 : i32
        %div3A_145 = arith.divsi %convert_element_type3A_57, %jit3A_144 : i32
        %sign3A_146 = arith.constant 0 : i32
        %sign3A_147 = arith.cmpi sgt, %convert_element_type3A_57, %sign3A_146 : i32
        %sign3A_148 = arith.extui %sign3A_147 : i1 to i32
        %sign3A_149 = arith.constant 0 : i32
        %sign3A_150 = arith.cmpi slt, %convert_element_type3A_57, %sign3A_149 : i32
        %sign3A_151 = arith.extui %sign3A_150 : i1 to i32
        %sign3A_152 = arith.subi %sign3A_148, %sign3A_151 : i32
        %sign3A_153 = arith.constant 0 : i32
        %sign3A_154 = arith.cmpi sgt, %jit3A_144, %sign3A_153 : i32
        %sign3A_155 = arith.extui %sign3A_154 : i1 to i32
        %sign3A_156 = arith.constant 0 : i32
        %sign3A_157 = arith.cmpi slt, %jit3A_144, %sign3A_156 : i32
        %sign3A_158 = arith.extui %sign3A_157 : i1 to i32
        %sign3A_159 = arith.subi %sign3A_155, %sign3A_158 : i32
        %ne3A_160 = arith.cmpi ne, %sign3A_152, %sign3A_159 : i32
        %rem3A_161 = arith.remsi %convert_element_type3A_57, %jit3A_144 : i32
        %ne3A_162 = arith.constant 0 : i32
        %ne3A_163 = arith.cmpi ne, %rem3A_161, %ne3A_162 : i32
        %and3A_164 = arith.andi %ne3A_160, %ne3A_163 : i1
        %sub3A_165 = arith.constant 1 : i32
        %sub3A_166 = arith.subi %div3A_145, %sub3A_165 : i32
        %select_n3A_167 = arith.select %and3A_164, %sub3A_166, %div3A_145 : i32
        %select_n3A_168 = arith.select %gt3A_58, %select_n3A_167, %select_n3A_143 : i32
        %broadcast_in_dim3A_169 = arith.constant 0.000000e+00 : f32
        %broadcast_in_dim3A_170 = vector.broadcast %broadcast_in_dim3A_169 : f32 to vector<16xf32>
        %while3A = arith.subi %select_n3A_143, %select_n3A_168 : i32
        %while3A_171 = arith.addi %select_n3A_168, %while3A : i32
        %while3A_172 = arith.constant 1 : i32
        %while3A_173 = arith.divsi %while3A, %while3A_172 : i32
        %while3A_174 = arith.muli %while3A_173, %while3A_172 : i32
        %while3A_175 = arith.addi %select_n3A_168, %while3A_174 : i32
        %while3A_176 = arith.constant 1 : i32
        %while3A_177:2 = scf.for %while3A_260 = %select_n3A_168 to %while3A_175 step %while3A_176 iter_args(%while3A_261 = %broadcast_in_dim3A_170, %while3A_262 = %broadcast_in_dim3A_170) -> (vector<16xf32>, vector<16xf32>)  : i32 {
          %mul3A_263 = arith.constant 16 : i32
          %mul3A_264 = arith.muli %while3A_260, %mul3A_263 : i32
          %get3A_265 = arith.index_cast %mul3A_264 : i32 to index
          %get3A_266 = tpu.vector_load %arg13[%get3A_265] {strides = array<i32>} : memref<5120xf32, #tpu.memory_space<vmem>>, vector<16xf32>,
          %get3A_267 = vector.shape_cast %get3A_266 : vector<16xf32> to vector<16xf32>
          %get3A_268 = arith.index_cast %mul3A_264 : i32 to index
          %get3A_269 = tpu.vector_load %arg14[%get3A_268] {strides = array<i32>} : memref<5120xf32, #tpu.memory_space<vmem>>, vector<16xf32>,
          %get3A_270 = vector.shape_cast %get3A_269 : vector<16xf32> to vector<16xf32>
          %get3A_271 = arith.index_cast %mul3A_264 : i32 to index
          %get3A_272 = tpu.vector_load %arg15[%get3A_271] {strides = array<i32>} : memref<5120xf32, #tpu.memory_space<vmem>>, vector<16xf32>,
          %get3A_273 = vector.shape_cast %get3A_272 : vector<16xf32> to vector<16xf32>
          %get3A_274 = arith.index_cast %mul3A_264 : i32 to index
          %get3A_275 = tpu.vector_load %arg16[%get3A_274] {strides = array<i32>} : memref<5120xf32, #tpu.memory_space<vmem>>, vector<16xf32>,
          %get3A_276 = vector.shape_cast %get3A_275 : vector<16xf32> to vector<16xf32>
          %get3A_277 = arith.index_cast %mul3A_264 : i32 to index
          %get3A_278 = tpu.vector_load %arg17[%get3A_277] {strides = array<i32>} : memref<5120xf32, #tpu.memory_space<vmem>>, vector<16xf32>,
          %get3A_279 = vector.shape_cast %get3A_278 : vector<16xf32> to vector<16xf32>
          %get3A_280 = arith.index_cast %mul3A_264 : i32 to index
          %get3A_281 = tpu.vector_load %arg18[%get3A_280] {strides = array<i32>} : memref<5120xf32, #tpu.memory_space<vmem>>, vector<16xf32>,
          %get3A_282 = vector.shape_cast %get3A_281 : vector<16xf32> to vector<16xf32>
          %get3A_283 = arith.index_cast %mul3A_264 : i32 to index
          %get3A_284 = tpu.vector_load %arg20[%get3A_283] {strides = array<i32>} : memref<5120xf32, #tpu.memory_space<vmem>>, vector<16xf32>,
          %get3A_285 = vector.shape_cast %get3A_284 : vector<16xf32> to vector<16xf32>
          %add3A_286 = vector.broadcast %mul3A_264 : i32 to vector<16xi32>
          %add3A_287 = arith.addi %add3A_286, %iota3A : vector<16xi32>
          %max3A_288 = arith.maximumf %get3A_267, %gather3A_85 : vector<16xf32>
          %max3A_289 = arith.maximumf %get3A_270, %gather3A_91 : vector<16xf32>
          %min3A = arith.minimumf %get3A_273, %gather3A_97 : vector<16xf32>
          %min3A_290 = arith.minimumf %get3A_276, %gather3A_103 : vector<16xf32>
          %sub3A_291 = arith.subf %min3A, %max3A_288 : vector<16xf32>
          %add3A_292 = arith.constant 1.000000e+00 : f32
          %add3A_293 = vector.broadcast %add3A_292 : f32 to vector<16xf32>
          %add3A_294 = arith.addf %sub3A_291, %add3A_293 : vector<16xf32>
          %max3A_295 = arith.constant 0.000000e+00 : f32
          %max3A_296 = vector.broadcast %max3A_295 : f32 to vector<16xf32>
          %max3A_297 = arith.maximumf %max3A_296, %add3A_294 : vector<16xf32>
          %sub3A_298 = arith.subf %min3A_290, %max3A_289 : vector<16xf32>
          %add3A_299 = arith.constant 1.000000e+00 : f32
          %add3A_300 = vector.broadcast %add3A_299 : f32 to vector<16xf32>
          %add3A_301 = arith.addf %sub3A_298, %add3A_300 : vector<16xf32>
          %max3A_302 = arith.constant 0.000000e+00 : f32
          %max3A_303 = vector.broadcast %max3A_302 : f32 to vector<16xf32>
          %max3A_304 = arith.maximumf %max3A_303, %add3A_301 : vector<16xf32>
          %mul3A_305 = arith.mulf %max3A_297, %max3A_304 : vector<16xf32>
          %add3A_306 = arith.addf %get3A_279, %gather3A_109 : vector<16xf32>
          %sub3A_307 = arith.subf %add3A_306, %mul3A_305 : vector<16xf32>
          %mul3A_308 = arith.constant 5.000000e-01 : f32
          %mul3A_309 = vector.broadcast %mul3A_308 : f32 to vector<16xf32>
          %mul3A_310 = arith.mulf %mul3A_309, %sub3A_307 : vector<16xf32>
          %gt3A_311 = arith.cmpf ogt, %mul3A_305, %mul3A_310 : vector<16xf32>
          %eq3A_312 = arith.cmpf oeq, %get3A_282, %gather3A_115 : vector<16xf32>
          %and3A_313 = arith.andi %gt3A_311, %eq3A_312 : vector<16xi1>
          %lt3A = arith.cmpi slt, %add3A_287, %broadcast_in_dim3A_59 : vector<16xi32>
          %and3A_314 = arith.andi %and3A_313, %lt3A : vector<16xi1>
          %jit3A_315 = arith.constant 1.000000e+00 : f32
          %jit3A_316 = arith.constant 0.000000e+00 : f32
          %broadcast_in_dim3A_317 = vector.broadcast %jit3A_315 : f32 to vector<16xf32>
          %broadcast_in_dim3A_318 = vector.broadcast %jit3A_316 : f32 to vector<16xf32>
          %select_n3A_319 = arith.select %and3A_314, %broadcast_in_dim3A_317, %broadcast_in_dim3A_318 : vector<16xi1>, vector<16xf32>
          %gt3A_320 = arith.constant 0.000000e+00 : f32
          %gt3A_321 = vector.broadcast %gt3A_320 : f32 to vector<16xf32>
          %gt3A_322 = arith.cmpf ogt, %get3A_285, %gt3A_321 : vector<16xf32>
          %jit3A_323 = arith.constant 0.000000e+00 : f32
          %broadcast_in_dim3A_324 = vector.broadcast %jit3A_323 : f32 to vector<16xf32>
          %select_n3A_325 = arith.select %gt3A_322, %select_n3A_319, %broadcast_in_dim3A_324 : vector<16xi1>, vector<16xf32>
          %max3A_326 = arith.maximumf %while3A_261, %select_n3A_325 : vector<16xf32>
          %max3A_327 = arith.maximumf %while3A_262, %select_n3A_319 : vector<16xf32>
          scf.yield %max3A_326, %max3A_327 : vector<16xf32>, vector<16xf32>
        }
        %while3A_178 = arith.constant 1 : i32
        %while3A_179:2 = scf.for %while3A_260 = %while3A_175 to %while3A_171 step %while3A_178 iter_args(%while3A_261 = %while3A_177#0, %while3A_262 = %while3A_177#1) -> (vector<16xf32>, vector<16xf32>)  : i32 {
          %mul3A_263 = arith.constant 16 : i32
          %mul3A_264 = arith.muli %while3A_260, %mul3A_263 : i32
          %get3A_265 = arith.index_cast %mul3A_264 : i32 to index
          %get3A_266 = tpu.vector_load %arg13[%get3A_265] {strides = array<i32>} : memref<5120xf32, #tpu.memory_space<vmem>>, vector<16xf32>,
          %get3A_267 = vector.shape_cast %get3A_266 : vector<16xf32> to vector<16xf32>
          %get3A_268 = arith.index_cast %mul3A_264 : i32 to index
          %get3A_269 = tpu.vector_load %arg14[%get3A_268] {strides = array<i32>} : memref<5120xf32, #tpu.memory_space<vmem>>, vector<16xf32>,
          %get3A_270 = vector.shape_cast %get3A_269 : vector<16xf32> to vector<16xf32>
          %get3A_271 = arith.index_cast %mul3A_264 : i32 to index
          %get3A_272 = tpu.vector_load %arg15[%get3A_271] {strides = array<i32>} : memref<5120xf32, #tpu.memory_space<vmem>>, vector<16xf32>,
          %get3A_273 = vector.shape_cast %get3A_272 : vector<16xf32> to vector<16xf32>
          %get3A_274 = arith.index_cast %mul3A_264 : i32 to index
          %get3A_275 = tpu.vector_load %arg16[%get3A_274] {strides = array<i32>} : memref<5120xf32, #tpu.memory_space<vmem>>, vector<16xf32>,
          %get3A_276 = vector.shape_cast %get3A_275 : vector<16xf32> to vector<16xf32>
          %get3A_277 = arith.index_cast %mul3A_264 : i32 to index
          %get3A_278 = tpu.vector_load %arg17[%get3A_277] {strides = array<i32>} : memref<5120xf32, #tpu.memory_space<vmem>>, vector<16xf32>,
          %get3A_279 = vector.shape_cast %get3A_278 : vector<16xf32> to vector<16xf32>
          %get3A_280 = arith.index_cast %mul3A_264 : i32 to index
          %get3A_281 = tpu.vector_load %arg18[%get3A_280] {strides = array<i32>} : memref<5120xf32, #tpu.memory_space<vmem>>, vector<16xf32>,
          %get3A_282 = vector.shape_cast %get3A_281 : vector<16xf32> to vector<16xf32>
          %get3A_283 = arith.index_cast %mul3A_264 : i32 to index
          %get3A_284 = tpu.vector_load %arg20[%get3A_283] {strides = array<i32>} : memref<5120xf32, #tpu.memory_space<vmem>>, vector<16xf32>,
          %get3A_285 = vector.shape_cast %get3A_284 : vector<16xf32> to vector<16xf32>
          %add3A_286 = vector.broadcast %mul3A_264 : i32 to vector<16xi32>
          %add3A_287 = arith.addi %add3A_286, %iota3A : vector<16xi32>
          %max3A_288 = arith.maximumf %get3A_267, %gather3A_85 : vector<16xf32>
          %max3A_289 = arith.maximumf %get3A_270, %gather3A_91 : vector<16xf32>
          %min3A = arith.minimumf %get3A_273, %gather3A_97 : vector<16xf32>
          %min3A_290 = arith.minimumf %get3A_276, %gather3A_103 : vector<16xf32>
          %sub3A_291 = arith.subf %min3A, %max3A_288 : vector<16xf32>
          %add3A_292 = arith.constant 1.000000e+00 : f32
          %add3A_293 = vector.broadcast %add3A_292 : f32 to vector<16xf32>
          %add3A_294 = arith.addf %sub3A_291, %add3A_293 : vector<16xf32>
          %max3A_295 = arith.constant 0.000000e+00 : f32
          %max3A_296 = vector.broadcast %max3A_295 : f32 to vector<16xf32>
          %max3A_297 = arith.maximumf %max3A_296, %add3A_294 : vector<16xf32>
          %sub3A_298 = arith.subf %min3A_290, %max3A_289 : vector<16xf32>
          %add3A_299 = arith.constant 1.000000e+00 : f32
          %add3A_300 = vector.broadcast %add3A_299 : f32 to vector<16xf32>
          %add3A_301 = arith.addf %sub3A_298, %add3A_300 : vector<16xf32>
          %max3A_302 = arith.constant 0.000000e+00 : f32
          %max3A_303 = vector.broadcast %max3A_302 : f32 to vector<16xf32>
          %max3A_304 = arith.maximumf %max3A_303, %add3A_301 : vector<16xf32>
          %mul3A_305 = arith.mulf %max3A_297, %max3A_304 : vector<16xf32>
          %add3A_306 = arith.addf %get3A_279, %gather3A_109 : vector<16xf32>
          %sub3A_307 = arith.subf %add3A_306, %mul3A_305 : vector<16xf32>
          %mul3A_308 = arith.constant 5.000000e-01 : f32
          %mul3A_309 = vector.broadcast %mul3A_308 : f32 to vector<16xf32>
          %mul3A_310 = arith.mulf %mul3A_309, %sub3A_307 : vector<16xf32>
          %gt3A_311 = arith.cmpf ogt, %mul3A_305, %mul3A_310 : vector<16xf32>
          %eq3A_312 = arith.cmpf oeq, %get3A_282, %gather3A_115 : vector<16xf32>
          %and3A_313 = arith.andi %gt3A_311, %eq3A_312 : vector<16xi1>
          %lt3A = arith.cmpi slt, %add3A_287, %broadcast_in_dim3A_59 : vector<16xi32>
          %and3A_314 = arith.andi %and3A_313, %lt3A : vector<16xi1>
          %jit3A_315 = arith.constant 1.000000e+00 : f32
          %jit3A_316 = arith.constant 0.000000e+00 : f32
          %broadcast_in_dim3A_317 = vector.broadcast %jit3A_315 : f32 to vector<16xf32>
          %broadcast_in_dim3A_318 = vector.broadcast %jit3A_316 : f32 to vector<16xf32>
          %select_n3A_319 = arith.select %and3A_314, %broadcast_in_dim3A_317, %broadcast_in_dim3A_318 : vector<16xi1>, vector<16xf32>
          %gt3A_320 = arith.constant 0.000000e+00 : f32
          %gt3A_321 = vector.broadcast %gt3A_320 : f32 to vector<16xf32>
          %gt3A_322 = arith.cmpf ogt, %get3A_285, %gt3A_321 : vector<16xf32>
          %jit3A_323 = arith.constant 0.000000e+00 : f32
          %broadcast_in_dim3A_324 = vector.broadcast %jit3A_323 : f32 to vector<16xf32>
          %select_n3A_325 = arith.select %gt3A_322, %select_n3A_319, %broadcast_in_dim3A_324 : vector<16xi1>, vector<16xf32>
          %max3A_326 = arith.maximumf %while3A_261, %select_n3A_325 : vector<16xf32>
          %max3A_327 = arith.maximumf %while3A_262, %select_n3A_319 : vector<16xf32>
          scf.yield %max3A_326, %max3A_327 : vector<16xf32>, vector<16xf32>
        }
        %xor3A = arith.constant 1 : i32
        %xor3A_180 = vector.broadcast %xor3A : i32 to vector<16xi32>
        %xor3A_181 = arith.xori %iota3A, %xor3A_180 : vector<16xi32>
        %broadcast_in_dim3A_182 = vector.shape_cast %xor3A_181 : vector<16xi32> to vector<16x1xi32>
        %gather3A_183 = vector.shape_cast %broadcast_in_dim3A_182 : vector<16x1xi32> to vector<16xi32>
        %gather3A_184 = tpu.dynamic_gather %while3A_179#0[%gather3A_183] in [0] : vector<16xf32>, vector<16xi32> -> vector<16xf32>
        %max3A = arith.maximumf %while3A_179#0, %gather3A_184 : vector<16xf32>
        %xor3A_185 = arith.constant 2 : i32
        %xor3A_186 = vector.broadcast %xor3A_185 : i32 to vector<16xi32>
        %xor3A_187 = arith.xori %iota3A, %xor3A_186 : vector<16xi32>
        %broadcast_in_dim3A_188 = vector.shape_cast %xor3A_187 : vector<16xi32> to vector<16x1xi32>
        %gather3A_189 = vector.shape_cast %broadcast_in_dim3A_188 : vector<16x1xi32> to vector<16xi32>
        %gather3A_190 = tpu.dynamic_gather %max3A[%gather3A_189] in [0] : vector<16xf32>, vector<16xi32> -> vector<16xf32>
        %max3A_191 = arith.maximumf %max3A, %gather3A_190 : vector<16xf32>
        %xor3A_192 = arith.constant 4 : i32
        %xor3A_193 = vector.broadcast %xor3A_192 : i32 to vector<16xi32>
        %xor3A_194 = arith.xori %iota3A, %xor3A_193 : vector<16xi32>
        %broadcast_in_dim3A_195 = vector.shape_cast %xor3A_194 : vector<16xi32> to vector<16x1xi32>
        %gather3A_196 = vector.shape_cast %broadcast_in_dim3A_195 : vector<16x1xi32> to vector<16xi32>
        %gather3A_197 = tpu.dynamic_gather %max3A_191[%gather3A_196] in [0] : vector<16xf32>, vector<16xi32> -> vector<16xf32>
        %max3A_198 = arith.maximumf %max3A_191, %gather3A_197 : vector<16xf32>
        %xor3A_199 = arith.constant 8 : i32
        %xor3A_200 = vector.broadcast %xor3A_199 : i32 to vector<16xi32>
        %xor3A_201 = arith.xori %iota3A, %xor3A_200 : vector<16xi32>
        %broadcast_in_dim3A_202 = vector.shape_cast %xor3A_201 : vector<16xi32> to vector<16x1xi32>
        %gather3A_203 = vector.shape_cast %broadcast_in_dim3A_202 : vector<16x1xi32> to vector<16xi32>
        %gather3A_204 = tpu.dynamic_gather %max3A_198[%gather3A_203] in [0] : vector<16xf32>, vector<16xi32> -> vector<16xf32>
        %max3A_205 = arith.maximumf %max3A_198, %gather3A_204 : vector<16xf32>
        %xor3A_206 = arith.constant 1 : i32
        %xor3A_207 = vector.broadcast %xor3A_206 : i32 to vector<16xi32>
        %xor3A_208 = arith.xori %iota3A, %xor3A_207 : vector<16xi32>
        %broadcast_in_dim3A_209 = vector.shape_cast %xor3A_208 : vector<16xi32> to vector<16x1xi32>
        %gather3A_210 = vector.shape_cast %broadcast_in_dim3A_209 : vector<16x1xi32> to vector<16xi32>
        %gather3A_211 = tpu.dynamic_gather %while3A_179#1[%gather3A_210] in [0] : vector<16xf32>, vector<16xi32> -> vector<16xf32>
        %max3A_212 = arith.maximumf %while3A_179#1, %gather3A_211 : vector<16xf32>
        %xor3A_213 = arith.constant 2 : i32
        %xor3A_214 = vector.broadcast %xor3A_213 : i32 to vector<16xi32>
        %xor3A_215 = arith.xori %iota3A, %xor3A_214 : vector<16xi32>
        %broadcast_in_dim3A_216 = vector.shape_cast %xor3A_215 : vector<16xi32> to vector<16x1xi32>
        %gather3A_217 = vector.shape_cast %broadcast_in_dim3A_216 : vector<16x1xi32> to vector<16xi32>
        %gather3A_218 = tpu.dynamic_gather %max3A_212[%gather3A_217] in [0] : vector<16xf32>, vector<16xi32> -> vector<16xf32>
        %max3A_219 = arith.maximumf %max3A_212, %gather3A_218 : vector<16xf32>
        %xor3A_220 = arith.constant 4 : i32
        %xor3A_221 = vector.broadcast %xor3A_220 : i32 to vector<16xi32>
        %xor3A_222 = arith.xori %iota3A, %xor3A_221 : vector<16xi32>
        %broadcast_in_dim3A_223 = vector.shape_cast %xor3A_222 : vector<16xi32> to vector<16x1xi32>
        %gather3A_224 = vector.shape_cast %broadcast_in_dim3A_223 : vector<16x1xi32> to vector<16xi32>
        %gather3A_225 = tpu.dynamic_gather %max3A_219[%gather3A_224] in [0] : vector<16xf32>, vector<16xi32> -> vector<16xf32>
        %max3A_226 = arith.maximumf %max3A_219, %gather3A_225 : vector<16xf32>
        %xor3A_227 = arith.constant 8 : i32
        %xor3A_228 = vector.broadcast %xor3A_227 : i32 to vector<16xi32>
        %xor3A_229 = arith.xori %iota3A, %xor3A_228 : vector<16xi32>
        %broadcast_in_dim3A_230 = vector.shape_cast %xor3A_229 : vector<16xi32> to vector<16x1xi32>
        %gather3A_231 = vector.shape_cast %broadcast_in_dim3A_230 : vector<16x1xi32> to vector<16xi32>
        %gather3A_232 = tpu.dynamic_gather %max3A_226[%gather3A_231] in [0] : vector<16xf32>, vector<16xi32> -> vector<16xf32>
        %max3A_233 = arith.maximumf %max3A_226, %gather3A_232 : vector<16xf32>
        %eq3A = vector.broadcast %scan3A_31 : i32 to vector<16xi32>
        %eq3A_234 = arith.cmpi eq, %iota3A, %eq3A : vector<16xi32>
        %jit3A_235 = arith.constant 0.000000e+00 : f32
        %broadcast_in_dim3A_236 = vector.broadcast %jit3A_235 : f32 to vector<16xf32>
        %select_n3A_237 = arith.select %eq3A_234, %gather3A_39, %broadcast_in_dim3A_236 : vector<16xi1>, vector<16xf32>
        %get3A_238 = arith.index_cast %mul3A_13 : i32 to index
        %get3A_239 = tpu.vector_load %arg22[%get3A_238] {strides = array<i32>} : memref<5120xf32, #tpu.memory_space<vmem>>, vector<16xf32>,
        %get3A_240 = vector.shape_cast %get3A_239 : vector<16xf32> to vector<16xf32>
        %sub3A_241 = arith.constant 1.000000e+00 : f32
        %sub3A_242 = vector.broadcast %sub3A_241 : f32 to vector<16xf32>
        %sub3A_243 = arith.subf %sub3A_242, %select_n3A_237 : vector<16xf32>
        %mul3A_244 = arith.mulf %get3A_240, %sub3A_243 : vector<16xf32>
        %sub3A_245 = arith.constant 1.000000e+00 : f32
        %sub3A_246 = vector.broadcast %sub3A_245 : f32 to vector<16xf32>
        %sub3A_247 = arith.subf %sub3A_246, %max3A_205 : vector<16xf32>
        %mul3A_248 = arith.mulf %sub3A_247, %select_n3A_237 : vector<16xf32>
        %add3A_249 = arith.addf %mul3A_244, %mul3A_248 : vector<16xf32>
        %swap3A_250 = arith.index_cast %mul3A_13 : i32 to index
        %swap3A_251 = tpu.vector_load %arg22[%swap3A_250] {strides = array<i32>} : memref<5120xf32, #tpu.memory_space<vmem>>, vector<16xf32>,
        %swap3A_252 = vector.shape_cast %swap3A_251 : vector<16xf32> to vector<16xf32>
        %swap3A_253 = vector.shape_cast %add3A_249 : vector<16xf32> to vector<16xf32>
        tpu.vector_store %arg22[%swap3A_250], %swap3A_253 {strides = array<i32>} : memref<5120xf32, #tpu.memory_space<vmem>>, vector<16xf32>,
        %sub3A_254 = arith.constant 1.000000e+00 : f32
        %sub3A_255 = vector.broadcast %sub3A_254 : f32 to vector<16xf32>
        %sub3A_256 = arith.subf %sub3A_255, %select_n3A_237 : vector<16xf32>
        %mul3A_257 = arith.mulf %scan3A_32, %sub3A_256 : vector<16xf32>
        %mul3A_258 = arith.mulf %max3A_233, %select_n3A_237 : vector<16xf32>
        %add3A_259 = arith.addf %mul3A_257, %mul3A_258 : vector<16xf32>
        scf.yield %add3A_259 : vector<16xf32>
      }
      %scan3A_25 = arith.constant 16 : i32
      "tpu.region"() ({
        %run_scoped3A = tpu.sem_alloc : memref<!tpu.dma_semaphore, #tpu.memory_space<semaphore_mem>>
        %dma_start3A = tpu.memref_slice %arg22[%mul3A_13] : memref<5120xf32, #tpu.memory_space<vmem>> -> memref<16xf32, #tpu.memory_space<vmem>>
        %dma_start3A_31 = tpu.memref_slice %arg11[%mul3A_13] : memref<5120xf32, #tpu.memory_space<hbm>> -> memref<16xf32, #tpu.memory_space<hbm>>
        %dma_start3A_32 = tpu.memref_slice %arg11[%mul3A_13] : memref<5120xf32, #tpu.memory_space<hbm>> -> memref<16xf32, #tpu.memory_space<hbm>>
        %dma_start3A_33 = tpu.memref_slice %arg22[%mul3A_13] : memref<5120xf32, #tpu.memory_space<vmem>> -> memref<16xf32, #tpu.memory_space<vmem>>
        tpu.enqueue_dma source(%dma_start3A_33 : memref<16xf32, #tpu.memory_space<vmem>>) target(%dma_start3A_32 : memref<16xf32, #tpu.memory_space<hbm>>) target_semaphore(%run_scoped3A : memref<!tpu.dma_semaphore, #tpu.memory_space<semaphore_mem>>)
        %dma_wait3A = tpu.memref_slice %arg22[%mul3A_13] : memref<5120xf32, #tpu.memory_space<vmem>> -> memref<16xf32, #tpu.memory_space<vmem>>
        %dma_wait3A_34 = tpu.memref_slice %arg11[%mul3A_13] : memref<5120xf32, #tpu.memory_space<hbm>> -> memref<16xf32, #tpu.memory_space<hbm>>
        %dma_wait3A_35 = tpu.memref_slice %arg11[%mul3A_13] : memref<5120xf32, #tpu.memory_space<hbm>> -> memref<16xf32, #tpu.memory_space<hbm>>
        %dma_wait3A_36 = tpu.memref_slice %arg22[%mul3A_13] : memref<5120xf32, #tpu.memory_space<vmem>> -> memref<16xf32, #tpu.memory_space<vmem>>
        tpu.wait_dma2 semaphore(%run_scoped3A : memref<!tpu.dma_semaphore, #tpu.memory_space<semaphore_mem>>) src(%dma_wait3A_36 : memref<16xf32, #tpu.memory_space<vmem>>) dst(%dma_wait3A_35 : memref<16xf32, #tpu.memory_space<hbm>>)
        tpu.yield
      }) : () -> ()
      %swap3A_26 = arith.constant 0 : index
      %swap3A_27 = tpu.vector_load %arg23[%swap3A_26] {strides = array<i32>} : memref<16xf32, #tpu.memory_space<vmem>>, vector<16xf32>,
      %swap3A_28 = vector.shape_cast %swap3A_27 : vector<16xf32> to vector<16xf32>
      %swap3A_29 = vector.shape_cast %scan3A_24 : vector<16xf32> to vector<16xf32>
      tpu.vector_store %arg23[%swap3A_26], %swap3A_29 {strides = array<i32>} : memref<16xf32, #tpu.memory_space<vmem>>, vector<16xf32>,
      "tpu.region"() ({
        %run_scoped3A = tpu.sem_alloc : memref<!tpu.dma_semaphore, #tpu.memory_space<semaphore_mem>>
        %dma_start3A = tpu.memref_slice %arg12[%mul3A_13] : memref<5120xf32, #tpu.memory_space<hbm>> -> memref<16xf32, #tpu.memory_space<hbm>>
        %dma_start3A_31 = tpu.memref_slice %arg12[%mul3A_13] : memref<5120xf32, #tpu.memory_space<hbm>> -> memref<16xf32, #tpu.memory_space<hbm>>
        tpu.enqueue_dma source(%arg23 : memref<16xf32, #tpu.memory_space<vmem>>) target(%dma_start3A_31 : memref<16xf32, #tpu.memory_space<hbm>>) target_semaphore(%run_scoped3A : memref<!tpu.dma_semaphore, #tpu.memory_space<semaphore_mem>>)
        %dma_wait3A = tpu.memref_slice %arg12[%mul3A_13] : memref<5120xf32, #tpu.memory_space<hbm>> -> memref<16xf32, #tpu.memory_space<hbm>>
        %dma_wait3A_32 = tpu.memref_slice %arg12[%mul3A_13] : memref<5120xf32, #tpu.memory_space<hbm>> -> memref<16xf32, #tpu.memory_space<hbm>>
        tpu.wait_dma2 semaphore(%run_scoped3A : memref<!tpu.dma_semaphore, #tpu.memory_space<semaphore_mem>>) src(%arg23 : memref<16xf32, #tpu.memory_space<vmem>>) dst(%dma_wait3A_32 : memref<16xf32, #tpu.memory_space<hbm>>)
        tpu.yield
      }) : () -> ()
      %scan3A_30 = arith.constant 0 : i32
      scf.yield %scan3A_30 : i32
    }
    %scan3A_6 = arith.constant 10 : i32
    return
  }
}

</mosaic_0001>

<sc_bundles>
// kernel: body.5.cloned.1.call-start
scs
__scs_entry_jumppad:
0x0: {  	(pc) =	sbr.rel $0x88, $3  }
0x1: {  	(tag) =	ssettag $0x0;
	lr =	simm.s32 $0x1  }
0x2: {  	[smem:$0x3F9E] =	sst lr;
	_ =	strace $0xD0000000  }
0x3: {  	_ = 	snop  }
0x4: {  	_ = 	snop  }
0x5: {  	_ = 	snop  }
0x6: {  	_ = 	snop  }
0x7: {  	_ = 	snop  }
__scs_overlays_trampoline_lowered:
0x8: {  	[smem:$0x3FAD] =	sst s0  }
0x9: {  	[smem:$0x3FAE] =	sst s1  }
0xa: {  	[smem:$0x3FAF] =	sst s2  }
0xb: {  	[smem:$0x3FB0] =	sst s3  }
0xc: {  	[smem:$0x3FB1] =	sst s4  }
0xd: {  	[smem:$0x3FB2] =	sst s5  }
0xe: {  	[smem:$0x3FB3] =	sst s6  }
0xf: {  	[smem:$0x3FB4] =	sst s7  }
0x10: {  	[smem:$0x3FB5] =	sst s8  }
0x11: {  	[smem:$0x3FB6] =	sst s9;
	s0 =	simm.s32 @!p0 $0x0  }
0x12: {  	s1 =	sld [smem:$0x3F9C];
	s0 =	simm.s32 @p0 $0x1  }
0x13: {  	[smem:$0x3FB7] =	sst s0;
	s0 =	simm.s32 @!p1 $0x0  }
0x14: {  	s2 =	sld [smem:$0x3F9B];
	s0 =	simm.s32 @p1 $0x1  }
0x15: {  	[smem:$0x3FB8] =	sst s0;
	s0 =	simm.s32 @!p2 $0x0  }
0x16: {  	s3 =	sld [smem:$0x3FDB];
	s0 =	simm.s32 @p2 $0x1  }
0x17: {  	s4 =	simm.s32 $0x1BF5;
	[smem:$0x3FBA] =	sst s0  }
0x18: {  	s0 =	sld [smem:$0x3F9D];
	_ =	swait.ge [sflag:s4], $0x0  }
0x19: {  	s7 =	sld [smem:$0x3F9E]  }
0x1a: {  	s8 =	sadd.s32 $0xFFFFE003, lr  }
0x1b: {  	s9 =	sadd.s32 $0xFFFFFEF7, lr;
	s5 =	simm.s32 $0xFFFFFFFF;
	p2 =	slt.u32 s8, $0xFFFFF086  }
0x1c: {  	p1 =	slt.u32 s9, $0xF7A;
	s5 =	simm.s32 @!p2 $0x0  }
0x1d: {  	s5 =	simm.s32 @p1 $0x1;
	p0 =	seq.s32 s7, s2  }
0x1e: {  	s7 =	smul.u32 @!p0 $0xF7A, s2;
	p2 =	seq.s32 @!p0 s5, $0x0  }
0x1f: {  	s9 =	smul.u32 $0xF7A, s1;
	s8 =	simm.s32 @!p0 $0x1BF5;
	p2 =	por !p2, p0  }
0x20: {  	[sflag:s8] =	ssyncset.s32 @!p0 $0xFFFFF086;
	s6 =	sadd.s32 @!p0 s3, s7;
	s7 =	simm.s32 @!p0 $0x108  }
0x21: {  	s3 =	sadd.s32 s3, s9;
	s6 =	sadd.s32 @!p0 $0x88, s6;
	s7 =	simm.s32 @p2 $0x1082  }
0x22: {  	[simem:s7], [sflag:s8] =	dma.local @!p0 [hbm:s6], $0xF7A  }
0x23: {  	s9 =	sor.u32 $0xD0000000, s2;
	s6 =	simm.s32 $0x108;
	_ =	swait.ge @!p0 [sflag:s8], $0x0  }
0x24: {  	s3 =	sadd.s32 $0x88, s3;
	s6 =	simm.s32 @!p1 $0x1082;
	[sflag:s4] =	ssyncset.s32 $0xFFFFF086  }
0x25: {  	[simem:s6], [sflag:s4] =	dma.local [hbm:s3], $0xF7A  }
0x26: {  	[smem:$0x3F9E] =	sst s1;
	(tag) =	ssettag s2;
	_ =	strace s9  }
0x27: {  	s1 =	sld [smem:$0x3FAE]  }
0x28: {  	s2 =	sld [smem:$0x3FAF]  }
0x29: {  	s4 =	sld [smem:$0x3FB1]  }
0x2a: {  	p0 =	seq.s32 s5, $0x0;
	s5 =	sld [smem:$0x3FB2]  }
0x2b: {  	s6 =	sld [smem:$0x3FB3]  }
0x2c: {  	s7 =	sld [smem:$0x3FB4]  }
0x2d: {  	s3 =	simm.s32 $0x108;
	s8 =	sld [smem:$0x3FB5]  }
0x2e: {  	s3 =	simm.s32 @!p0 $0x1082;
	s9 =	sld [smem:$0x3FB6]  }
0x2f: {  	lr =	sadd.s32 s0, s3;
	s0 =	sld [smem:$0x3FAD]  }
0x30: {  	s3 =	sld [smem:$0x3FB0]  }
0x31: {  	[smem:$0x3FB9] =	sst s10  }
0x32: {  	s10 =	sld [smem:$0x3FB7];
	_ =	sdelay $0x3  }
0x33: {  	p0 =	seq.s32 s10, $0x1;
	s10 =	sld [smem:$0x3FB9];
	_ =	sdelay $0x3  }
0x34: {  	[smem:$0x3FB9] =	sst s10  }
0x35: {  	s10 =	sld [smem:$0x3FB8];
	_ =	sdelay $0x3  }
0x36: {  	p1 =	seq.s32 s10, $0x1;
	s10 =	sld [smem:$0x3FB9];
	_ =	sdelay $0x3  }
0x37: {  	[smem:$0x3FB9] =	sst s10  }
0x38: {  	s10 =	sld [smem:$0x3FBA]  }
0x39: {  	_ = 	snop;
	(pc) =	sbr.ind lr, $3  }
0x3a: {  	_ = 	snop  }
0x3b: {  	_ = 	snop  }
0x3c: {  	p2 =	seq.s32 s10, $0x1;
	s10 =	sld [smem:$0x3FB9]  }
0x3d: {  	_ =	shalt  }
0x3e: {  	_ =	shalt  }
0x3f: {  	_ =	shalt  }
0x40: {  	_ =	shalt  }
0x41: {  	_ =	shalt  }
0x42: {  	_ =	shalt  }
0x43: {  	_ =	shalt  }
0x44: {  	_ =	shalt  }
0x45: {  	_ =	shalt  }
0x46: {  	_ =	shalt  }
0x47: {  	_ =	shalt  }
0x48: {  	_ =	shalt  }
0x49: {  	_ =	shalt  }
0x4a: {  	_ =	shalt  }
0x4b: {  	_ =	shalt  }
0x4c: {  	_ =	shalt  }
0x4d: {  	_ =	shalt  }
0x4e: {  	_ =	shalt  }
0x4f: {  	_ =	shalt  }
0x50: {  	_ =	shalt  }
0x51: {  	_ =	shalt  }
0x52: {  	_ =	shalt  }
0x53: {  	_ =	shalt  }
0x54: {  	_ =	shalt  }
0x55: {  	_ =	shalt  }
0x56: {  	_ =	shalt  }
0x57: {  	_ =	shalt  }
0x58: {  	_ =	shalt  }
0x59: {  	_ =	shalt  }
0x5a: {  	_ =	shalt  }
0x5b: {  	_ =	shalt  }
0x5c: {  	_ =	shalt  }
0x5d: {  	_ =	shalt  }
0x5e: {  	_ =	shalt  }
0x5f: {  	_ =	shalt  }
0x60: {  	_ =	shalt  }
0x61: {  	_ =	shalt  }
0x62: {  	_ =	shalt  }
0x63: {  	_ =	shalt  }
0x64: {  	_ =	shalt  }
0x65: {  	_ =	shalt  }
0x66: {  	_ =	shalt  }
0x67: {  	_ =	shalt  }
0x68: {  	_ =	shalt  }
0x69: {  	_ =	shalt  }
0x6a: {  	_ =	shalt  }
0x6b: {  	_ =	shalt  }
0x6c: {  	_ =	shalt  }
0x6d: {  	_ =	shalt  }
0x6e: {  	_ =	shalt  }
0x6f: {  	_ =	shalt  }
0x70: {  	_ =	shalt  }
0x71: {  	_ =	shalt  }
0x72: {  	_ =	shalt  }
0x73: {  	_ =	shalt  }
0x74: {  	_ =	shalt  }
0x75: {  	_ =	shalt  }
0x76: {  	_ =	shalt  }
0x77: {  	_ =	shalt  }
0x78: {  	_ =	shalt  }
0x79: {  	_ =	shalt  }
0x7a: {  	_ =	shalt  }
0x7b: {  	_ =	shalt  }
0x7c: {  	_ =	shalt  }
0x7d: {  	_ =	shalt  }
0x7e: {  	_ =	shalt  }
0x7f: {  	_ =	shalt  }
0x80: {  	_ =	shalt  }
0x81: {  	_ =	shalt  }
0x82: {  	_ =	shalt  }
0x83: {  	_ =	shalt  }
0x84: {  	_ =	shalt  }
0x85: {  	_ =	shalt  }
0x86: {  	_ =	shalt  }
0x87: {  	_ =	shalt  }
.Lfunc_end0:
.L_simem_size_0:
called_computation.5_lowered:
.L_overlay_start_0:
0x88: {  	s2 =	sld [smem:$0x3FD9]  }
0x89: {  	s3 =	sld [smem:$0x3FFE];
	_ =	sdelay $0x1  }
0x8a: {  	s1 =	srdreg.scid  }
0x8b: {  	s0 =	sand.u32 $0x1, s1  }
0x8c: {  	s17 =	sshll.u32 s0, $0xA;
	s2 =	sadd.s32 s3, s2  }
0x8d: {  	s2 =	sadd.s32 s2, s17  }
0x8e: {  	[smem:$0x3FC5] =	sst s2  }
0x8f: {  	_ = 	snop  }
0x90: {  	s2 =	sld [smem:$0x3FD0];
	(tm) =	ssettm $0x1  }
0x91: {  	s18 =	sld [smem:$0x3FFB];
	_ =	sdelay $0x3  }
0x92: {  	_ =	strace s18  }
0x93: {  	s3 =	sld [smem:$0x3FFC];
	_ =	sdelay $0x3  }
0x94: {  	_ =	strace s3  }
0x95: {  	s3 =	sld [smem:$0x3FFD];
	_ =	sdelay $0x3  }
0x96: {  	_ =	strace s3  }
0x97: {  	_ =	strace $0x8FFFFFFF  }
0x98: {  	s19 =	sld [smem:$0x3FDB];
	_ =	sdelay $0x1  }
0x99: {  	s4 =	simm.s32 $_scs_section_size  }
0x9a: {  	s5 =	simm.s32 $_size__tile_overlayer_lowered;
	s6 =	simm.s32 $_tile_overlayer_lowered  }
0x9b: {  	s22 =	simm.s32 $0x1BFF;
	s21 =	sshll.u32 s6, $0x1;
	s3 =	sadd.s32 s4, s19  }
0x9c: {  	s7 =	simm.s32 $0x0;
	s20 =	sshll.u32 s5, $0x1;
	s5 =	sadd.s32 s21, s3  }
0x9d: {  	[timem:s7], [sflag:s22] =	dma.local [hbm:s5], s20  }
0x9e: {  	_ =	swait.ge [sflag:s22], s20  }
0x9f: {  	s4 =	ssub.s32 $0x0, s20;
	[sflag:s22] =	ssyncset.done $0x0  }
0xa0: {  	[sflag:s22] =	ssyncadd.s32 s4;
	_ =	sdelay $0x1  }
0xa1: {  	s23 =	simm.s32 $0x1B8B  }
0xa2: {  	_ =	swait.ge [sflag:s23], $0x1  }
0xa3: {  	[sflag:s23] =	ssyncset.done $0x0  }
0xa4: {  	s25 =	simm.s32 $0x1B8E;
	s24 =	sld [smem:$0x3FFE];
	[sflag:s23] =	ssyncadd.s32 $0xFFFFFFFF  }
0xa5: {  	s26 =	simm.s32 $execute0_lowered;
	[smem:$0x3FD2] =	sst s25  }
0xa6: {  	s5 =	sshll.u32 s26, $0x1;
	_ =	strace $0x80000055;
	[dreg:$0x1] =	wrdreg $0xFFFFFFFF  }
0xa7: {  	s28 =	simm.s32 $_size_execute0_lowered;
	s3 =	sadd.s32 s3, s5;
	[dreg:$0x0] =	wrdreg $0x0  }
0xa8: {  	s5 =	sshll.u32 s28, $0x1;
	[dreg:$0x2] =	wrdreg s3  }
0xa9: {  	[dreg:$0x3] =	wrdreg s5  }
0xaa: {  	[dreg:$0x4] =	wrdreg $0xC0  }
0xab: {  	_ =	task [dreg:s7], $0x5FFFF  }
0xac: {  	[dreg:$0x1] =	wrdreg $0xFFFFFFFF  }
0xad: {  	[dreg:$0x0] =	wrdreg $0x60  }
0xae: {  	[dreg:$0x2] =	wrdreg s24  }
0xaf: {  	[dreg:$0x3] =	wrdreg s2  }
0xb0: {  	[dreg:$0x4] =	wrdreg $0x9  }
0xb1: {  	_ =	task.clear_ibuf [dreg:s7], $0x5FFFF;
	_ =	strace $0x90000055  }
0xb2: {  	s29 =	simm.s32 $0x9;
	_ =	strace $0x80000057  }
0xb3: {  	_ =	swait.ge [sflag:s29], $0x1  }
0xb4: {  	[sflag:s29] =	ssyncadd.s32 $0xFFFFFFFF  }
0xb5: {  	_ =	strace $0x90000057  }
0xb6: {  	_ =	sfence  }
0xb7: {  	s30 =	sld [smem:$0x0];
	_ =	sdelay $0x2  }
0xb8: {  	s31 =	sshll.u32 s1, $0xD;
	s1 =	sshrl.u32 s1, $0x2  }
0xb9: {  	s3 =	sand.u32 $0x4000, s31;
	s1 =	sadd.s32 s1, s30  }
0xba: {  	s0 =	sor.u32 s3, s0;
	s1 =	sshll.u32 s1, $0x11  }
0xbb: {  	s0 =	sor.u32 s1, s0  }
0xbc: {  	s0 =	sadd.s32 $0x8F2B, s0  }
0xbd: {  	[sflag:s0] =	ssyncadd.remote.s32 $0x1  }
0xbe: {  	_ =	sfence.sel $0xFFFF  }
0xbf: {  	[dreg:$0x0] =	wrdreg $0xFFFFFFFF;
	(pc) =	sbr.abs _section_cstart, $3  }
0xc0: {  	[dreg:$0x1] =	wrdreg $0xFFFFFFFF  }
0xc1: {  	_ =	task.clear_ibuf [dreg:s7], $0x2FFFF;
	_ =	strace $0x9FFFFFFF  }
0xc2: {  	(tm) =	ssettm $0x7FFFFFFF  }
0xc3: {  	_ =	shalt  }
tec
execute0_lowered:
.L_overlay_start_1:
0x0: {  	(tag) =	ssettag $0x1  }
0x1: {  	v0 =	vimm.s32 $0xEFCDAB89;
	v1 =	vimm.s32 $0x67452301  }
0x2: {  	v0 =	vunpack.c.l.s4.s8 v0;
	v1 =	vunpack.c.l.s4.s8 v1;
	_ =	sdelay $0x1  }
0x3: {  	s5 =	rddreg [dreg:$0x0];
	s3 =	simm.s32 $0x0;
	v2 =	vimm.s32 $0xDCFE98BA;
	s31 =	srdreg.scid;
	v0 =	vunpack.c.0.s8.s32 v0;
	v1 =	vunpack.c.0.s8.s32 v1  }
0x4: {  	s4 =	stileid.u32;
	v4 =	vimm.s32 $0x32107654;
	v5 =	vimm.s32 $0xFEDCBA98;
	s28 =	simm.s32 $0xC800;
	s29 =	simm.s32 $0x0;
	v2 =	vunpack.c.l.s4.s8 v2  }
0x5: {  	[smem:$0x7FF] =	sst s3;
	s0 =	sadd.s32 $0x1200, s5;
	s25 =	sadd.s32 $0xA00, s5;
	v5 =	vunpack.c.l.s4.s8 v5;
	v3 =	vcombine.low v1, v0;
	v0 =	vimm.s32 $0x54761032  }
0x6: {  	s26 =	sadd.s32 $0xE00, s5;
	s30 =	sadd.s32 $0x600, s5;
	s8 =	sadd.s32 $0x1A00, s5;
	v1 =	vunpack.c.0.s8.s32 v2;
	v2 =	vimm.s32 $0xBA98FEDC;
	v0 =	vunpack.c.l.s4.s8 v0  }
0x7: {  	s9 =	sadd.s32 $0x1600, s5;
	s11 =	sadd.s32 $0x14C00, s5;
	s4 =	sshll.u32 s4, $0x5;
	v4 =	vunpack.c.l.s4.s8 v4;
	v2 =	vunpack.c.l.s4.s8 v2  }
0x8: {  	s12 =	sadd.s32 $0x2200, s5;
	_ =	strace $0x80000056;
	[dreg:$0x3] =	wrdreg s0;
	v5 =	vunpack.c.0.s8.s32 v5;
	v6 =	vunpack.c.0.s8.s32 v0;
	v0 =	vimm.s32 $0x76543210  }
.Ltmp0:
0x9: {  	[dreg:$0x4] =	wrdreg s25;
	s0 =	sand.u32 $0x1, s31;
	v4 =	vunpack.c.0.s8.s32 v4;
	v2 =	vunpack.c.0.s8.s32 v2;
	v7 =	vunpack.c.l.s4.s8 v0;
	(pc) =	sbr.rel .LBB2_1-.Ltmp0, $4  }
0xa: {  	s14 =	sadd.s32 $0x2600, s5;
	[dreg:$0x5] =	wrdreg s26;
	s1 =	ssub.s32 $0x2, s0;
	v9 =	vand.u32 $0xF, v5;
	v0 =	vlaneseq.u32  }
0xb: {  	[dreg:$0x6] =	wrdreg s30;
	s0 =	sshll.u32 s0, $0x4;
	s2 =	sshrl.u32 s1, $0x1;
	v6 =	vcombine.low v6, v1;
	v8 =	vcombine.low v4, v2;
	v7 =	vunpack.c.0.s8.s32 v7  }
0xc: {  	s25 =	simm.s32 $0x1;
	s13 =	sor.u32 s0, s4;
	s1 =	ssub.s32 s1, s2;
	v3 =	vand.u32 $0xF, v3;
	v1 =	vmul.u32 $0xFFFFFFFF, v0;
	v2 =	vimm.f32 $0.0e+00  }
0xd: {  	s26 =	simm.s32 $0x2;
	s17 =	sor.u32 $0xF, s13;
	s16 =	smax.u32 s1, $0x1;
	v4 =	vand.u32 $0xF, v6;
	v5 =	vand.u32 $0xF, v8;
	v6 =	vcombine.low v9, v7  }
.LBB2_14:
0xe: {  	s29 =	sadd.s32 $0x1, s29  }
0xf: {  	p0 =	sne.s32 s29, s16  }
.Ltmp1:
0x10: {  	_ = 	snop;
	(pc) =	sbr.rel @!p0 .LBB2_15-.Ltmp1, $1  }
0x11: {  	_ =	sdelay $0x3  }
.LBB2_1:
0x12: {  	s0 =	rddreg [dreg:$0x3]  }
0x13: {  	[tilespmem:s3], [sflag:$0x1] =	stream.linear.gather [hbm4b:s0+s3], $0x1400, $0x38;
	[tilespmem:$0xC880] =	vst v63  }
0x14: {  	s6 =	rddreg [dreg:$0x4];
	s1 =	simm.s32 $0x1400  }
0x15: {  	[tilespmem:s1], [sflag:$0x1] =	stream.linear.gather [hbm4b:s6+s3], $0x1400, $0x38;
	[tilespmem:$0xC880] =	vst v63  }
0x16: {  	s7 =	rddreg [dreg:$0x5];
	s10 =	simm.s32 $0x2800  }
0x17: {  	[tilespmem:s10], [sflag:$0x1] =	stream.linear.gather [hbm4b:s7+s3], $0x1400, $0x38;
	[tilespmem:$0xC880] =	vst v63  }
0x18: {  	s15 =	rddreg [dreg:$0x6];
	s18 =	simm.s32 $0x3C00  }
0x19: {  	[tilespmem:s18], [sflag:$0x1] =	stream.linear.gather [hbm4b:s15+s3], $0x1400, $0x38;
	[tilespmem:$0xC880] =	vst v63  }
0x1a: {  	s19 =	simm.s32 $0x5000  }
0x1b: {  	[tilespmem:s19], [sflag:$0x1] =	stream.linear.gather [hbm4b:s8+s3], $0x1400, $0x38;
	[tilespmem:$0xC880] =	vst v63  }
0x1c: {  	s20 =	simm.s32 $0x6400  }
0x1d: {  	[tilespmem:s20], [sflag:$0x1] =	stream.linear.gather [hbm4b:s9+s3], $0x1400, $0x38;
	[tilespmem:$0xC880] =	vst v63  }
0x1e: {  	s21 =	simm.s32 $0x7800  }
0x1f: {  	[tilespmem:s21], [sflag:$0x1] =	stream.linear.gather [hbm4b:s11+s3], $0x1400, $0x38;
	[tilespmem:$0xC880] =	vst v63  }
0x20: {  	s22 =	rddreg [dreg:$0x0];
	s23 =	simm.s32 $0x8C00  }
0x21: {  	[tilespmem:s23], [sflag:$0x1] =	stream.linear.gather [hbm4b:s22+s3], $0x1400, $0x38;
	[tilespmem:$0xC880] =	vst v63  }
0x22: {  	s24 =	rddreg [dreg:$0x1];
	s30 =	simm.s32 $0xA000  }
0x23: {  	[tilespmem:s30], [sflag:$0x1] =	stream.linear.gather [hbm4b:s24+s3], $0x1400, $0x38;
	[tilespmem:$0xC880] =	vst v63  }
0x24: {  	_ =	swait.ge [sflag:s25], $0x1400  }
0x25: {  	[sflag:s25] =	ssyncset.done $0x0  }
0x26: {  	[sflag:s25] =	ssyncadd.s32 $0xFFFFEC00  }
0x27: {  	_ =	swait.ge [sflag:s25], $0x1400  }
0x28: {  	[sflag:s25] =	ssyncset.done $0x0  }
0x29: {  	[sflag:s25] =	ssyncadd.s32 $0xFFFFEC00  }
0x2a: {  	_ =	swait.ge [sflag:s25], $0x1400  }
0x2b: {  	[sflag:s25] =	ssyncset.done $0x0  }
0x2c: {  	[sflag:s25] =	ssyncadd.s32 $0xFFFFEC00  }
0x2d: {  	_ =	swait.ge [sflag:s25], $0x1400  }
0x2e: {  	[sflag:s25] =	ssyncset.done $0x0  }
0x2f: {  	[sflag:s25] =	ssyncadd.s32 $0xFFFFEC00  }
0x30: {  	_ =	swait.ge [sflag:s25], $0x1400  }
0x31: {  	[sflag:s25] =	ssyncset.done $0x0  }
0x32: {  	[sflag:s25] =	ssyncadd.s32 $0xFFFFEC00  }
0x33: {  	_ =	swait.ge [sflag:s25], $0x1400  }
0x34: {  	[sflag:s25] =	ssyncset.done $0x0  }
0x35: {  	[sflag:s25] =	ssyncadd.s32 $0xFFFFEC00  }
0x36: {  	_ =	swait.ge [sflag:s25], $0x1400  }
0x37: {  	[sflag:s25] =	ssyncset.done $0x0  }
0x38: {  	[sflag:s25] =	ssyncadd.s32 $0xFFFFEC00  }
0x39: {  	_ =	swait.ge [sflag:s25], $0x1400  }
.Ltmp2:
0x3a: {  	[sflag:s25] =	ssyncset.done $0x0;
	(pc) =	sbr.rel .LBB2_2-.Ltmp2, $4  }
0x3b: {  	[sflag:s25] =	ssyncadd.s32 $0xFFFFEC00  }
0x3c: {  	_ =	swait.ge [sflag:s25], $0x1400  }
0x3d: {  	[sflag:s25] =	ssyncset.done $0x0  }
0x3e: {  	s31 =	simm.s32 $0x0;
	s15 =	smov.u32 s17;
	[sflag:s25] =	ssyncadd.s32 $0xFFFFEC00  }
.LBB2_13:
0x3f: {  	s0 =	sshrl.u32 s0, $0x3  }
0x40: {  	s1 =	sadd.s32 s12, s0  }
0x41: {  	[hbm4b:s1+s3] =	stream.linear.scatter [tilespmem:s10], [sflag:$0x2], $0x10, $0x38;
	[tilespmem:$0xC880] =	vst v63  }
0x42: {  	_ =	swait.ge [sflag:s26], $0x10  }
0x43: {  	s31 =	sadd.s32 $0x1, s31;
	[sflag:s26] =	ssyncset.done $0x0  }
0x44: {  	p0 =	sne.s32 s31, $0xA;
	[sflag:s26] =	ssyncadd.s32 $0xFFFFFFF0  }
.Ltmp3:
0x45: {  	s0 =	sadd.s32 s14, s0;
	[tilespmem:$0xC800] =	vst v7;
	(pc) =	sbr.rel @!p0 .LBB2_14-.Ltmp3, $4  }
0x46: {  	[hbm4b:s0+s3] =	stream.linear.scatter [tilespmem:s28], [sflag:$0x2], $0x10, $0x38;
	[tilespmem:$0xC880] =	vst v63  }
0x47: {  	_ =	swait.ge [sflag:s26], $0x10  }
0x48: {  	[sflag:s26] =	ssyncset.done $0x0  }
0x49: {  	s15 =	sadd.s32 $0x200, s15;
	[sflag:s26] =	ssyncadd.s32 $0xFFFFFFF0  }
.LBB2_2:
0x4a: {  	s0 =	sshll.u32 s31, $0x9  }
0x4b: {  	s0 =	sor.u32 s13, s0  }
0x4c: {  	v8 =	vld [tilespmem:s0+$0x8C00]  }
.Ltmp4:
0x4d: {  	_ = 	snop;
	(pc) =	sbr.rel .LBB2_3-.Ltmp4, $2  }
0x4e: {  	_ =	sdelay $0x2  }
0x4f: {  	s2 =	simm.s32 $0x0;
	v7 =	vimm.f32 $0.0e+00;
	s30 =	smov.u32 s15;
	s10 =	sadd.s32 $0xB400, s0;
	v9 =	vmov s0;
	[tilespmem:s0+$0xB400] =	vst v8  }
.LBB2_5:
0x50: {  	s18 =	smov.u32 s4;
	s20 =	smov.u32 s21;
	v23 =	vimm.f32 $0.0e+00;
	s19 =	smov.u32 s22;
	v25 =	vimm.f32 $0.0e+00  }
.LBB2_11:
0x51: {  	v16 =	vsub.f32 v29, v26;
	v17 =	vsub.f32 v30, v28;
	_ =	sdelay $0x1  }
0x52: {  	v16 =	vadd.f32 $1.000000000e+00, v16;
	v17 =	vadd.f32 $1.000000000e+00, v17;
	_ =	sdelay $0x1  }
0x53: {  	s6 =	sadd.s32 @p0 $0x10, s20;
	v16 =	vmax.f32 v16, $0.0e+00;
	v17 =	vmax.f32 v17, $0.0e+00  }
0x54: {  	s1 =	sadd.s32 @p1 $0x10, s18;
	s5 =	smov.u32 s4;
	v15 =	vadd.f32 v20, v15;
	s21 =	smov.u32 @p0 s6;
	v16 =	vmul.f32 v17, v16  }
0x55: {  	s5 =	smov.u32 @p1 s1;
	s1 =	sadd.s32 @p0 $0x10, s19;
	v19 =	vld [tilespmem:s21+$0x0]  }
0x56: {  	v18 =	vmul.f32 @p0 $5.000000000e-01, v27;
	s22 =	smov.u32 @p0 s1;
	v15 =	vsub.f32 v15, v16  }
0x57: {  	vm0 =	veq.f32 @p0 v24, v13;
	vm2 =	vgt.f32 @p0 v22, $0.0e+00;
	s1 =	sadd.s32 @p0 $0x10, s5;
	v61 =	vld [tilespmem:s22+$0x0]  }
0x58: {  	vm1 =	vgt.f32 @p0 v21, v18;
	s4 =	smov.u32 @p0 s1;
	v17 =	vmov @p0 s5;
	v15 =	vmul.f32 $5.000000000e-01, v15  }
0x59: {  	vm0 =	vmand @p0 vm0, vm1;
	v62 =	vmov s4;
	vm1 =	vlt.s32 @p0 v17, v14  }
0x5a: {  	vm0 =	vmand @p0 vm1, vm0;
	vm12 =	veq.f32 v19, v13;
	vm13 =	vgt.f32 v16, v15  }
0x5b: {  	vm14 =	vlt.s32 v62, v14;
	v18 =	vsel @p0 vm0, $0x3F800000, v2;
	vm0 =	vmand vm12, vm13  }
0x5c: {  	vm15 =	vgt.f32 v61, $0.0e+00;
	v13 =	vnsel @p0 vm2, $0x0, v18;
	vm0 =	vmand vm14, vm0  }
0x5d: {  	v14 =	vmax.f32 @p0 v23, v18;
	v13 =	vmax.f32 @p0 v25, v13;
	v15 =	vsel vm0, $0x3F800000, v2  }
0x5e: {  	v14 =	vpsel p0, v14, v12;
	v13 =	vpsel p0, v13, v12;
	v63 =	vnsel vm15, $0x0, v15  }
0x5f: {  	v12 =	vmax.f32 v14, v15;
	v13 =	vmax.f32 v13, v63  }
.LBB2_12:
0x60: {  	v14 =	vperm.xlane v13, v3;
	_ =	sdelay $0x1  }
0x61: {  	v13 =	vmax.f32 v13, v14  }
0x62: {  	v14 =	vperm.xlane v13, v4  }
0x63: {  	v15 =	vperm.xlane v12, v3  }
0x64: {  	v13 =	vmax.f32 v13, v14  }
0x65: {  	v12 =	vmax.f32 v12, v15;
	v14 =	vperm.xlane v13, v5  }
0x66: {  	v15 =	vperm.xlane v12, v4  }
0x67: {  	v13 =	vmax.f32 v13, v14  }
0x68: {  	v12 =	vmax.f32 v12, v15;
	v14 =	vperm.xlane v13, v6  }
0x69: {  	vm0 =	veq.s32 v11, v0;
	v11 =	vperm.xlane v12, v5  }
0x6a: {  	v10 =	vnsel vm0, $0x0, v10;
	v13 =	vmax.f32 v13, v14  }
0x6b: {  	s2 =	sadd.s32 $0x1, s2;
	v62 =	vsub.f32 $1.000000000e+00, v10;
	v11 =	vmax.f32 v12, v11;
	v13 =	vsub.f32 $1.000000000e+00, v13  }
0x6c: {  	p0 =	sne.s32 s2, $0x10;
	v63 =	vperm.xlane v11, v6  }
.Ltmp5:
0x6d: {  	v8 =	vmul.f32 v8, v62;
	v13 =	vmul.f32 v13, v10;
	(pc) =	sbr.rel @!p0 .LBB2_13-.Ltmp5, $3  }
0x6e: {  	v11 =	vmax.f32 v11, v63  }
0x6f: {  	v7 =	vmul.f32 v62, v7;
	v10 =	vmul.f32 v11, v10;
	v8 =	vadd.f32 v8, v13;
	_ =	sdelay $0x1  }
0x70: {  	s30 =	sadd.s32 $0x1, s30;
	v7 =	vadd.f32 v10, v7;
	[tilespmem:s0+$0xB400] =	vst v8  }
.LBB2_3:
0x71: {  	v10 =	vld [tilespmem:s0+$0xA000]  }
0x72: {  	v12 =	vld [tilespmem:s0+$0x7800];
	_ =	sdelay $0x2  }
0x73: {  	v11 =	vmov s2  }
0x74: {  	v10 =	vperm.xlane v10, v11  }
0x75: {  	v12 =	vperm.xlane v12, v11  }
0x76: {  	(v2sf) =	vpush v10, $0x0  }
0x77: {  	(v2sf) =	vpush v12, $0x0;
	_ =	sdelay $0xd  }
0x78: {  	s4 =	spop (v2sf)  }
0x79: {  	s1 =	spop (v2sf)  }
0x7a: {  	s5 =	scvt.f32.s32 s1;
	_ =	sdelay $0x1  }
0x7b: {  	p0 =	sgt.f32 s4, $0.0e+00;
	s1 =	sor.u32 s0, s2;
	s22 =	sand.u32 $0xF, s5  }
0x7c: {  	s6 =	sshra.s32 s5, $0x1F;
	p1 =	slt.s32 s5, $0x1;
	p2 =	sne.s32 s22, $0x0  }
0x7d: {  	s23 =	sadd.s32 $0xF, s1;
	s6 =	sshrl.u32 s6, $0x1C;
	p1 =	por !p1, !p2  }
0x7e: {  	s5 =	sadd.s32 s6, s5;
	s6 =	simm.s32 $0x1;
	p1 =	por !p1, !p1  }
0x7f: {  	s7 =	sshrl.u32 s23, $0x4;
	s24 =	sshra.s32 s5, $0x4;
	s6 =	simm.s32 @!p1 $0x0  }
0x80: {  	s4 =	smov.u32 s7;
	s5 =	ssub.s32 s24, s6  }
0x81: {  	s4 =	smov.u32 @p0 s5  }
0x82: {  	p0 =	sge.s32 s4, s7  }
.Ltmp6:
0x83: {  	_ = 	snop;
	(pc) =	sbr.rel @p0 .LBB2_12-.Ltmp6, $2  }
0x84: {  	_ =	sdelay $0x2  }
0x85: {  	v13 =	vimm.f32 $0.0e+00;
	v12 =	vimm.f32 $0.0e+00  }
0x86: {  	p0 =	seq.s32 s1, $0x0;
	p1 =	sne.s32 s2, $0x0  }
0x87: {  	s6 =	sshll.u32 s4, $0x6;
	p0 =	por !p1, !p0  }
0x88: {  	s5 =	simm.s32 $0xFFFFFFFF;
	s20 =	sshra.s32 s6, $0x2;
	p0 =	por !p0, !p0  }
0x89: {  	v22 =	vld [tilespmem:s20+$0x0];
	s18 =	sadd.s32 $0x2800, s20;
	s5 =	simm.s32 @!p0 $0x0  }
0x8a: {  	v25 =	vld [tilespmem:s18+$0x0];
	s5 =	sshll.u32 s5, $0x4  }
0x8b: {  	v12 =	vld.idx.msk [tilespmem:v9+s5+$0x0 ss:$0x1], $0xffff  }
0x8c: {  	v13 =	vld.idx.msk [tilespmem:v9+s5+$0x1400 ss:$0x1], $0xffff  }
0x8d: {  	v14 =	vld.idx.msk [tilespmem:v9+s5+$0x2800 ss:$0x1], $0xffff  }
0x8e: {  	v15 =	vld.idx.msk [tilespmem:v9+s5+$0x3C00 ss:$0x1], $0xffff;
	s7 =	ssub.s32 s2, s5  }
0x8f: {  	s24 =	sshrl.u32 s30, $0x4;
	v20 =	vld.idx.msk [tilespmem:v9+s5+$0x5000 ss:$0x1], $0xffff;
	v16 =	vmov s7  }
0x90: {  	s19 =	ssub.s32 s4, s24;
	v21 =	vld.idx.msk [tilespmem:v9+s5+$0x6400 ss:$0x1], $0xffff;
	s5 =	sadd.s32 $0x1400, s20;
	v16 =	vand.u32 $0xF, v16  }
0x91: {  	s19 =	sadd.s32 $0x1, s19;
	v23 =	vld [tilespmem:s5+$0x0];
	s7 =	sadd.s32 $0x3C00, s20;
	v24 =	vbroadcast v16, $0x0  }
0x92: {  	p2 =	seq.s32 s19, $0x0;
	v27 =	vld [tilespmem:s7+$0x0]  }
.Ltmp7:
0x93: {  	v16 =	vperm.xlane v12, v24;
	v17 =	vperm.xlane v13, v24;
	(pc) =	sbr.rel @p2 .LBB2_5-.Ltmp7, $4  }
0x94: {  	v18 =	vperm.xlane v14, v24;
	v19 =	vperm.xlane v15, v24  }
0x95: {  	s4 =	sshll.u32 s4, $0x4;
	v15 =	vperm.xlane v20, v24;
	v13 =	vperm.xlane v21, v24  }
0x96: {  	p1 =	por $0x0, $0x0;
	s6 =	sadd.s32 $0x5000, s20;
	s21 =	sadd.s32 $0x6400, s20;
	v14 =	vadd.s32 s1, v1;
	v12 =	vimm.f32 $0.0e+00;
	v26 =	vmax.f32 v22, v16  }
0x97: {  	s22 =	sadd.s32 $0x8C00, s20;
	p0 =	por $0x0, $0x0;
	s20 =	sadd.s32 $0x10, s20;
	v20 =	vld [tilespmem:s6+$0x0];
	v28 =	vmax.f32 v23, v17;
	v29 =	vmin.f32 v25, v18;
	v30 =	vmin.f32 v27, v19  }
0x98: {  	v22 =	vld [tilespmem:s20+$0x0];
	s23 =	sadd.s32 $0x10, s5  }
0x99: {  	v21 =	vsub.f32 v29, v26;
	v23 =	vsub.f32 v30, v28;
	s18 =	sadd.s32 $0x10, s18;
	v25 =	vld [tilespmem:s23+$0x0]  }
0x9a: {  	s1 =	sadd.s32 $0x10, s7;
	s5 =	sadd.s32 $0x1, s19;
	v29 =	vld [tilespmem:s18+$0x0]  }
0x9b: {  	v30 =	vld [tilespmem:s1+$0x0];
	p2 =	seq.s32 s5, $0x0;
	v21 =	vadd.f32 $1.000000000e+00, v21;
	v23 =	vadd.f32 $1.000000000e+00, v23  }
.Ltmp8:
0x9c: {  	_ = 	snop;
	(pc) =	sbr.rel @p2 .LBB2_7-.Ltmp8, $4  }
0x9d: {  	v21 =	vmax.f32 v21, $0.0e+00;
	v23 =	vmax.f32 v23, $0.0e+00  }
0x9e: {  	v24 =	vld [tilespmem:s21+$0x0];
	v20 =	vadd.f32 v20, v15;
	v21 =	vmul.f32 v23, v21  }
0x9f: {  	s6 =	sadd.s32 $0x10, s6;
	v26 =	vmax.f32 v22, v16;
	v22 =	vld [tilespmem:s22+$0x0];
	v28 =	vmax.f32 v25, v17  }
0xa0: {  	s7 =	sadd.s32 $0x10, s20;
	p0 =	por $0x1, $0x1;
	v29 =	vmin.f32 v29, v18;
	v30 =	vmin.f32 v30, v19;
	v27 =	vsub.f32 v20, v21;
	v20 =	vld [tilespmem:s6+$0x0]  }
0xa1: {  	v25 =	vld [tilespmem:s7+$0x0];
	v23 =	vsub.f32 v29, v26;
	v26 =	vsub.f32 v30, v28;
	s23 =	sadd.s32 $0x10, s23  }
0xa2: {  	s24 =	sadd.s32 $0x10, s18;
	v29 =	vmov s4;
	v27 =	vmul.f32 $5.000000000e-01, v27;
	v28 =	vld [tilespmem:s23+$0x0]  }
0xa3: {  	s1 =	sadd.s32 $0x10, s1;
	s5 =	sadd.s32 $0x1, s5;
	v30 =	vld [tilespmem:s24+$0x0];
	vm0 =	veq.f32 v24, v13;
	v23 =	vadd.f32 $1.000000000e+00, v23;
	v24 =	vadd.f32 $1.000000000e+00, v26  }
0xa4: {  	v31 =	vld [tilespmem:s1+$0x0];
	vm15 =	vlt.s32 v29, v14;
	p2 =	seq.s32 s5, $0x0;
	vm1 =	vgt.f32 v21, v27;
	vm2 =	vgt.f32 v22, $0.0e+00  }
.Ltmp9:
0xa5: {  	s20 =	sadd.s32 $0x10, s21;
	vm0 =	vmand vm0, vm1;
	v21 =	vmax.f32 v23, $0.0e+00;
	v22 =	vmax.f32 v24, $0.0e+00;
	(pc) =	sbr.rel @p2 .LBB2_9-.Ltmp9, $4  }
0xa6: {  	v20 =	vadd.f32 v20, v15;
	v24 =	vld [tilespmem:s20+$0x0];
	vm0 =	vmand vm15, vm0;
	v21 =	vmul.f32 v22, v21  }
0xa7: {  	s19 =	sadd.s32 $0x10, s22;
	v26 =	vmax.f32 v25, v16;
	v22 =	vsel vm0, $0x3F800000, v2;
	v28 =	vmax.f32 v28, v17  }
0xa8: {  	s6 =	sadd.s32 $0x10, s6;
	v29 =	vnsel vm2, $0x0, v22;
	v23 =	vmax.f32 v12, v22;
	v22 =	vld [tilespmem:s19+$0x0];
	v27 =	vsub.f32 v20, v21  }
0xa9: {  	s7 =	sadd.s32 $0x10, s7;
	p1 =	por $0x1, $0x1;
	s18 =	smov.u32 s4;
	v20 =	vld [tilespmem:s6+$0x0];
	v25 =	vmax.f32 v12, v29;
	v29 =	vmin.f32 v30, v18;
	v30 =	vmin.f32 v31, v19  }
.LBB2_10:
0xaa: {  	v31 =	vld [tilespmem:s7+$0x0];
	v26 =	vsub.f32 v29, v26;
	v28 =	vsub.f32 v30, v28;
	s23 =	sadd.s32 $0x10, s23;
	v27 =	vmul.f32 $5.000000000e-01, v27;
	s18 =	sadd.s32 $0x10, s18  }
0xab: {  	s24 =	sadd.s32 $0x10, s24;
	vm0 =	veq.f32 v24, v13;
	v29 =	vld [tilespmem:s23+$0x0];
	v30 =	vmov s18  }
0xac: {  	s1 =	sadd.s32 $0x10, s1;
	s5 =	sadd.s32 $0x1, s5;
	v32 =	vld [tilespmem:s24+$0x0];
	v24 =	vadd.f32 $1.000000000e+00, v26;
	v26 =	vadd.f32 $1.000000000e+00, v28;
	vm1 =	vgt.f32 v21, v27  }
0xad: {  	vm2 =	vgt.f32 v22, $0.0e+00;
	p2 =	seq.s32 s5, $0x0;
	v33 =	vld [tilespmem:s1+$0x0];
	vm0 =	vmand vm0, vm1;
	vm1 =	vlt.s32 v30, v14  }
.Ltmp10:
0xae: {  	s20 =	sadd.s32 $0x10, s20;
	v21 =	vmax.f32 v24, $0.0e+00;
	v22 =	vmax.f32 v26, $0.0e+00;
	vm0 =	vmand vm1, vm0;
	(pc) =	sbr.rel @!p2 .LBB2_10-.Ltmp10, $4  }
0xaf: {  	v20 =	vadd.f32 v20, v15;
	v24 =	vld [tilespmem:s20+$0x0];
	v21 =	vmul.f32 v22, v21;
	v22 =	vsel vm0, $0x3F800000, v2  }
0xb0: {  	s19 =	sadd.s32 $0x10, s19;
	v28 =	vnsel vm2, $0x0, v22;
	v23 =	vmax.f32 v23, v22  }
0xb1: {  	s6 =	sadd.s32 $0x10, s6;
	v26 =	vmax.f32 v31, v16;
	v22 =	vld [tilespmem:s19+$0x0];
	v27 =	vsub.f32 v20, v21;
	v25 =	vmax.f32 v25, v28  }
0xb2: {  	s7 =	sadd.s32 $0x10, s7;
	v28 =	vmax.f32 v29, v17;
	v29 =	vmin.f32 v32, v18;
	v20 =	vld [tilespmem:s6+$0x0];
	v30 =	vmin.f32 v33, v19  }
.Ltmp11:
0xb3: {  	_ = 	snop;
	(pc) =	sbr.rel .LBB2_11-.Ltmp11, $1  }
0xb4: {  	_ =	sdelay $0x3  }
.LBB2_7:
.Ltmp12:
0xb5: {  	(pc) =	sbr.rel .LBB2_11-.Ltmp12, $2  }
0xb6: {  	_ =	sdelay $0x2  }
0xb7: {  	s18 =	smov.u32 s4;
	s20 =	smov.u32 s21;
	v23 =	vimm.f32 $0.0e+00;
	s19 =	smov.u32 s22;
	v25 =	vimm.f32 $0.0e+00  }
.LBB2_9:
.Ltmp13:
0xb8: {  	(pc) =	sbr.rel .LBB2_11-.Ltmp13, $2  }
0xb9: {  	_ =	sdelay $0x2  }
0xba: {  	s18 =	smov.u32 s4  }
.LBB2_15:
0xbb: {  	_ =	sfence.sel $0x180000  }
0xbc: {  	[bflag:$0x0] =	sbarrier.arrive $0xFFFF  }
0xbd: {  	_ =	strace $0x90000056  }
0xbe: {  	s0 =	stileid.u32;
	[bflag:$0x2] =	sbarrier.arrive $0xFFFF  }
0xbf: {  	p0 =	sne.s32 s0, $0x0;
	s0 =	rddreg [dreg:$0x2]  }
0xc0: {  	s0 =	sadd.s32 @!p0 $0x100000, s0  }
0xc1: {  	[sflag:s0] =	ssyncadd.tile.s32 @!p0 $0x1;
	_ =	shalt  }
.Lfunc_end2:
_tile_overlayer_lowered:
.L_overlay_start_2:
0xc2: {  	(tag) =	ssettag $0x2  }
0xc3: {  	s0 =	rddreg [dreg:$0x0];
	s2 =	stileid.u32  }
0xc4: {  	s1 =	rddreg [dreg:$0x1];
	p0 =	sne.s32 s2, $0x0  }
0xc5: {  	s3 =	rddreg [dreg:$0x2];
	[bflag:$0x3] =	sbarrier.arrive $0xFFFF;
	s2 =	simm.s32 @!p0 $0x1C02  }
0xc6: {  	[timem:s3], [sflag:s2] =	dma.local @!p0 [hbm:s0], s1  }
0xc7: {  	s0 =	simm.s32 @!p0 $0x2  }
0xc8: {  	_ =	swait.ge @!p0 [sflag:s0], s1  }
0xc9: {  	s1 =	ssub.s32 @!p0 $0x0, s1;
	[sflag:s0] =	ssyncset.done @!p0 $0x0  }
0xca: {  	[sflag:s0] =	ssyncadd.s32 @!p0 s1  }
0xcb: {  	[bflag:$0x3] =	sbarrier.arrive $0xFFFF  }
0xcc: {  	_ =	shalt  }

// kernel: gather_offload_async_start.1
scs
__scs_entry_jumppad:
0x0: {  	(pc) =	sbr.rel $0x88, $3  }
0x1: {  	(tag) =	ssettag $0x0;
	lr =	simm.s32 $0x1  }
0x2: {  	[smem:$0x3F9E] =	sst lr;
	_ =	strace $0xD0000000  }
0x3: {  	_ = 	snop  }
0x4: {  	_ = 	snop  }
0x5: {  	_ = 	snop  }
0x6: {  	_ = 	snop  }
0x7: {  	_ = 	snop  }
__scs_overlays_trampoline_lowered:
0x8: {  	[smem:$0x3FAD] =	sst s0  }
0x9: {  	[smem:$0x3FAE] =	sst s1  }
0xa: {  	[smem:$0x3FAF] =	sst s2  }
0xb: {  	[smem:$0x3FB0] =	sst s3  }
0xc: {  	[smem:$0x3FB1] =	sst s4  }
0xd: {  	[smem:$0x3FB2] =	sst s5  }
0xe: {  	[smem:$0x3FB3] =	sst s6  }
0xf: {  	[smem:$0x3FB4] =	sst s7  }
0x10: {  	[smem:$0x3FB5] =	sst s8  }
0x11: {  	[smem:$0x3FB6] =	sst s9;
	s0 =	simm.s32 @!p0 $0x0  }
0x12: {  	s1 =	sld [smem:$0x3F9C];
	s0 =	simm.s32 @p0 $0x1  }
0x13: {  	[smem:$0x3FB7] =	sst s0;
	s0 =	simm.s32 @!p1 $0x0  }
0x14: {  	s2 =	sld [smem:$0x3F9B];
	s0 =	simm.s32 @p1 $0x1  }
0x15: {  	[smem:$0x3FB8] =	sst s0;
	s0 =	simm.s32 @!p2 $0x0  }
0x16: {  	s3 =	sld [smem:$0x3FDB];
	s0 =	simm.s32 @p2 $0x1  }
0x17: {  	s4 =	simm.s32 $0x1BF5;
	[smem:$0x3FBA] =	sst s0  }
0x18: {  	s0 =	sld [smem:$0x3F9D];
	_ =	swait.ge [sflag:s4], $0x0  }
0x19: {  	s7 =	sld [smem:$0x3F9E]  }
0x1a: {  	s8 =	sadd.s32 $0xFFFFE003, lr  }
0x1b: {  	s9 =	sadd.s32 $0xFFFFFEF7, lr;
	s5 =	simm.s32 $0xFFFFFFFF;
	p2 =	slt.u32 s8, $0xFFFFF086  }
0x1c: {  	p1 =	slt.u32 s9, $0xF7A;
	s5 =	simm.s32 @!p2 $0x0  }
0x1d: {  	s5 =	simm.s32 @p1 $0x1;
	p0 =	seq.s32 s7, s2  }
0x1e: {  	s7 =	smul.u32 @!p0 $0xF7A, s2;
	p2 =	seq.s32 @!p0 s5, $0x0  }
0x1f: {  	s9 =	smul.u32 $0xF7A, s1;
	s8 =	simm.s32 @!p0 $0x1BF5;
	p2 =	por !p2, p0  }
0x20: {  	[sflag:s8] =	ssyncset.s32 @!p0 $0xFFFFF086;
	s6 =	sadd.s32 @!p0 s3, s7;
	s7 =	simm.s32 @!p0 $0x108  }
0x21: {  	s3 =	sadd.s32 s3, s9;
	s6 =	sadd.s32 @!p0 $0x88, s6;
	s7 =	simm.s32 @p2 $0x1082  }
0x22: {  	[simem:s7], [sflag:s8] =	dma.local @!p0 [hbm:s6], $0xF7A  }
0x23: {  	s9 =	sor.u32 $0xD0000000, s2;
	s6 =	simm.s32 $0x108;
	_ =	swait.ge @!p0 [sflag:s8], $0x0  }
0x24: {  	s3 =	sadd.s32 $0x88, s3;
	s6 =	simm.s32 @!p1 $0x1082;
	[sflag:s4] =	ssyncset.s32 $0xFFFFF086  }
0x25: {  	[simem:s6], [sflag:s4] =	dma.local [hbm:s3], $0xF7A  }
0x26: {  	[smem:$0x3F9E] =	sst s1;
	(tag) =	ssettag s2;
	_ =	strace s9  }
0x27: {  	s1 =	sld [smem:$0x3FAE]  }
0x28: {  	s2 =	sld [smem:$0x3FAF]  }
0x29: {  	s4 =	sld [smem:$0x3FB1]  }
0x2a: {  	p0 =	seq.s32 s5, $0x0;
	s5 =	sld [smem:$0x3FB2]  }
0x2b: {  	s6 =	sld [smem:$0x3FB3]  }
0x2c: {  	s7 =	sld [smem:$0x3FB4]  }
0x2d: {  	s3 =	simm.s32 $0x108;
	s8 =	sld [smem:$0x3FB5]  }
0x2e: {  	s3 =	simm.s32 @!p0 $0x1082;
	s9 =	sld [smem:$0x3FB6]  }
0x2f: {  	lr =	sadd.s32 s0, s3;
	s0 =	sld [smem:$0x3FAD]  }
0x30: {  	s3 =	sld [smem:$0x3FB0]  }
0x31: {  	[smem:$0x3FB9] =	sst s10  }
0x32: {  	s10 =	sld [smem:$0x3FB7];
	_ =	sdelay $0x3  }
0x33: {  	p0 =	seq.s32 s10, $0x1;
	s10 =	sld [smem:$0x3FB9];
	_ =	sdelay $0x3  }
0x34: {  	[smem:$0x3FB9] =	sst s10  }
0x35: {  	s10 =	sld [smem:$0x3FB8];
	_ =	sdelay $0x3  }
0x36: {  	p1 =	seq.s32 s10, $0x1;
	s10 =	sld [smem:$0x3FB9];
	_ =	sdelay $0x3  }
0x37: {  	[smem:$0x3FB9] =	sst s10  }
0x38: {  	s10 =	sld [smem:$0x3FBA]  }
0x39: {  	_ = 	snop;
	(pc) =	sbr.ind lr, $3  }
0x3a: {  	_ = 	snop  }
0x3b: {  	_ = 	snop  }
0x3c: {  	p2 =	seq.s32 s10, $0x1;
	s10 =	sld [smem:$0x3FB9]  }
0x3d: {  	_ =	shalt  }
0x3e: {  	_ =	shalt  }
0x3f: {  	_ =	shalt  }
0x40: {  	_ =	shalt  }
0x41: {  	_ =	shalt  }
0x42: {  	_ =	shalt  }
0x43: {  	_ =	shalt  }
0x44: {  	_ =	shalt  }
0x45: {  	_ =	shalt  }
0x46: {  	_ =	shalt  }
0x47: {  	_ =	shalt  }
0x48: {  	_ =	shalt  }
0x49: {  	_ =	shalt  }
0x4a: {  	_ =	shalt  }
0x4b: {  	_ =	shalt  }
0x4c: {  	_ =	shalt  }
0x4d: {  	_ =	shalt  }
0x4e: {  	_ =	shalt  }
0x4f: {  	_ =	shalt  }
0x50: {  	_ =	shalt  }
0x51: {  	_ =	shalt  }
0x52: {  	_ =	shalt  }
0x53: {  	_ =	shalt  }
0x54: {  	_ =	shalt  }
0x55: {  	_ =	shalt  }
0x56: {  	_ =	shalt  }
0x57: {  	_ =	shalt  }
0x58: {  	_ =	shalt  }
0x59: {  	_ =	shalt  }
0x5a: {  	_ =	shalt  }
0x5b: {  	_ =	shalt  }
0x5c: {  	_ =	shalt  }
0x5d: {  	_ =	shalt  }
0x5e: {  	_ =	shalt  }
0x5f: {  	_ =	shalt  }
0x60: {  	_ =	shalt  }
0x61: {  	_ =	shalt  }
0x62: {  	_ =	shalt  }
0x63: {  	_ =	shalt  }
0x64: {  	_ =	shalt  }
0x65: {  	_ =	shalt  }
0x66: {  	_ =	shalt  }
0x67: {  	_ =	shalt  }
0x68: {  	_ =	shalt  }
0x69: {  	_ =	shalt  }
0x6a: {  	_ =	shalt  }
0x6b: {  	_ =	shalt  }
0x6c: {  	_ =	shalt  }
0x6d: {  	_ =	shalt  }
0x6e: {  	_ =	shalt  }
0x6f: {  	_ =	shalt  }
0x70: {  	_ =	shalt  }
0x71: {  	_ =	shalt  }
0x72: {  	_ =	shalt  }
0x73: {  	_ =	shalt  }
0x74: {  	_ =	shalt  }
0x75: {  	_ =	shalt  }
0x76: {  	_ =	shalt  }
0x77: {  	_ =	shalt  }
0x78: {  	_ =	shalt  }
0x79: {  	_ =	shalt  }
0x7a: {  	_ =	shalt  }
0x7b: {  	_ =	shalt  }
0x7c: {  	_ =	shalt  }
0x7d: {  	_ =	shalt  }
0x7e: {  	_ =	shalt  }
0x7f: {  	_ =	shalt  }
0x80: {  	_ =	shalt  }
0x81: {  	_ =	shalt  }
0x82: {  	_ =	shalt  }
0x83: {  	_ =	shalt  }
0x84: {  	_ =	shalt  }
0x85: {  	_ =	shalt  }
0x86: {  	_ =	shalt  }
0x87: {  	_ =	shalt  }
.Lfunc_end0:
.L_simem_size_0:
called_computation.1_lowered:
.L_overlay_start_0:
0x88: {  	s0 =	sld [smem:$0x3FD9]  }
0x89: {  	s1 =	sld [smem:$0x3FFE];
	_ =	sdelay $0x3  }
0x8a: {  	s0 =	sadd.s32 s1, s0  }
0x8b: {  	[smem:$0x3FC5] =	sst s0  }
0x8c: {  	_ = 	snop  }
0x8d: {  	s0 =	sld [smem:$0x3FD0];
	(tm) =	ssettm $0x1  }
0x8e: {  	s16 =	sld [smem:$0x3FFB];
	_ =	sdelay $0x3  }
0x8f: {  	_ =	strace s16  }
0x90: {  	s1 =	sld [smem:$0x3FFC];
	_ =	sdelay $0x3  }
0x91: {  	_ =	strace s1  }
0x92: {  	s1 =	sld [smem:$0x3FFD];
	_ =	sdelay $0x3  }
0x93: {  	_ =	strace s1  }
0x94: {  	_ =	strace $0x8FFFFFFF  }
0x95: {  	s17 =	sld [smem:$0x3FDB];
	_ =	sdelay $0x1  }
0x96: {  	s2 =	simm.s32 $_scs_section_size  }
0x97: {  	s3 =	simm.s32 $_size__tile_overlayer_lowered;
	s4 =	simm.s32 $_tile_overlayer_lowered  }
0x98: {  	s20 =	simm.s32 $0x1BFF;
	s19 =	sshll.u32 s4, $0x1;
	s1 =	sadd.s32 s2, s17  }
0x99: {  	s5 =	simm.s32 $0x0;
	s18 =	sshll.u32 s3, $0x1;
	s3 =	sadd.s32 s19, s1  }
0x9a: {  	[timem:s5], [sflag:s20] =	dma.local [hbm:s3], s18  }
0x9b: {  	_ =	swait.ge [sflag:s20], s18  }
0x9c: {  	s2 =	ssub.s32 $0x0, s18;
	[sflag:s20] =	ssyncset.done $0x0  }
0x9d: {  	[sflag:s20] =	ssyncadd.s32 s2;
	_ =	sdelay $0x1  }
0x9e: {  	s21 =	simm.s32 $0x1B8B  }
0x9f: {  	_ =	swait.ge [sflag:s21], $0x1  }
0xa0: {  	[sflag:s21] =	ssyncset.done $0x0  }
0xa1: {  	s23 =	simm.s32 $0x1B8E;
	s22 =	sld [smem:$0x3FFE];
	[sflag:s21] =	ssyncadd.s32 $0xFFFFFFFF  }
0xa2: {  	s24 =	simm.s32 $execute0_lowered;
	[smem:$0x3FD2] =	sst s23  }
0xa3: {  	s3 =	sshll.u32 s24, $0x1;
	_ =	strace $0x80000049;
	[dreg:$0x1] =	wrdreg $0xFFFFFFFF  }
0xa4: {  	s25 =	simm.s32 $_size_execute0_lowered;
	s1 =	sadd.s32 s1, s3;
	[dreg:$0x0] =	wrdreg $0x0  }
0xa5: {  	s3 =	sshll.u32 s25, $0x1;
	[dreg:$0x2] =	wrdreg s1  }
0xa6: {  	[dreg:$0x3] =	wrdreg s3  }
0xa7: {  	[dreg:$0x4] =	wrdreg $0xC0  }
0xa8: {  	_ =	task [dreg:s5], $0x5FFFF  }
0xa9: {  	[dreg:$0x1] =	wrdreg $0xFFFFFFFF  }
0xaa: {  	[dreg:$0x0] =	wrdreg $0x60  }
0xab: {  	[dreg:$0x2] =	wrdreg s0  }
0xac: {  	[dreg:$0x3] =	wrdreg s22  }
0xad: {  	[dreg:$0x4] =	wrdreg $0x9  }
0xae: {  	_ =	task.clear_ibuf [dreg:s5], $0x5FFFF;
	_ =	strace $0x90000049  }
0xaf: {  	s26 =	simm.s32 $0x9;
	_ =	strace $0x8000004B  }
0xb0: {  	_ =	swait.ge [sflag:s26], $0x1  }
0xb1: {  	[sflag:s26] =	ssyncadd.s32 $0xFFFFFFFF  }
0xb2: {  	_ =	strace $0x9000004B  }
0xb3: {  	_ =	sfence  }
0xb4: {  	s28 =	sld [smem:$0x0];
	_ =	sdelay $0x1  }
0xb5: {  	s29 =	srdreg.scid  }
0xb6: {  	s30 =	sshll.u32 s29, $0xD;
	s31 =	sshrl.u32 s29, $0x2  }
0xb7: {  	s2 =	sand.u32 $0x4000, s30;
	s1 =	sand.u32 $0x1, s29;
	s0 =	sadd.s32 s31, s28  }
0xb8: {  	s1 =	sor.u32 s2, s1;
	s0 =	sshll.u32 s0, $0x11  }
0xb9: {  	s0 =	sor.u32 s0, s1  }
0xba: {  	s0 =	sadd.s32 $0x8F2B, s0  }
0xbb: {  	[sflag:s0] =	ssyncadd.remote.s32 $0x1  }
0xbc: {  	_ =	sfence.sel $0xFFFF  }
0xbd: {  	[dreg:$0x0] =	wrdreg $0xFFFFFFFF;
	(pc) =	sbr.abs _section_cstart, $3  }
0xbe: {  	[dreg:$0x1] =	wrdreg $0xFFFFFFFF  }
0xbf: {  	_ =	task.clear_ibuf [dreg:s5], $0x2FFFF;
	_ =	strace $0x9FFFFFFF  }
0xc0: {  	(tm) =	ssettm $0x7FFFFFFF  }
0xc1: {  	_ =	shalt  }
tec
execute0_lowered:
.L_overlay_start_1:
0x0: {  	(tag) =	ssettag $0x1  }
0x1: {  	s2 =	rddreg [dreg:$0x0]  }
0x2: {  	s3 =	rddreg [dreg:$0x1]  }
0x3: {  	s0 =	rddreg [dreg:$0x2];
	s1 =	stileid.u32  }
0x4: {  	_ =	strace $0x8000004A;
	s6 =	simm.s32 $0x1;
	s8 =	simm.s32 $0x2  }
0x5: {  	s30 =	simm.s32 $0x3;
	s12 =	simm.s32 $0x0;
	s4 =	sshll.u32 s1, $0x4  }
0x6: {  	s9 =	simm.s32 $0x0;
	s10 =	simm.s32 $0x0;
	s7 =	ssub.s32 $0x1380, s4  }
0x7: {  	s5 =	sadd.s32 $0x14C00, s3;
	[sflag:s6] =	ssyncpa.u1 $0x0;
	s6 =	sshrl.u32 s7, $0x8  }
0x8: {  	[sflag:s8] =	ssyncpa.u1 $0x0;
	s11 =	smov.u32 s4;
	s31 =	sshll.u32 s6, $0x4  }
0x9: {  	[sflag:s30] =	ssyncpa.u1 $0x0;
	s7 =	sadd.s32 $0x2, s6;
	s8 =	sadd.s32 $0x30, s31  }
.LBB2_1:
0xa: {  	p0 =	sgt.u32 s10, s6  }
0xb: {  	s13 =	sxor.u32 @!p0 $0xFFFFFFFF, s9;
	s14 =	sshrl.u32 @!p0 s11, $0x3  }
0xc: {  	s15 =	sand.u32 @!p0 $0x7, s11;
	s13 =	sand.u32 @!p0 $0x10, s13;
	s14 =	sadd.s32 @!p0 s3, s14  }
0xd: {  	[tilespmem:s13], [sflag:$0x2] =	stream.linear.gather @!p0 [hbm4b:s14+s15], $0x10, $0x38;
	[tilespmem:$0x40] =	vst v63  }
0xe: {  	p0 =	seq.s32 s9, $0x0  }
0xf: {  	p1 =	sge.u32 @!p0 s10, s7  }
0x10: {  	p0 =	por p1, p0  }
0x11: {  	s13 =	simm.s32 @!p0 $0x2  }
0x12: {  	_ =	swait.ge @!p0 [sflag:s13], $0x10  }
0x13: {  	[sflag:s13] =	ssyncset.done @!p0 $0x0  }
0x14: {  	[sflag:s13] =	ssyncadd.s32 @!p0 $0xFFFFFFF0;
	s13 =	sand.u32 @!p0 $0x10, s9  }
0x15: {  	(ifvalue) =	ssetifvalue @!p0 $0x7FFFFFFF;
	v0 =	vld.msk @!p0 [tilespmem:s13+$0x0 ss:$0x1], $0xffff;
	_ =	sdelay $0x4  }
0x16: {  	vm0 =	vgt.s32 @!p0 v0, $0x0  }
0x17: {  	v0 =	vnsel @!p0 vm0, $0x0, v0  }
0x18: {  	v0 =	vmin.u32 @!p0 v0, $0x1387;
	_ =	sdelay $0x3  }
0x19: {  	s14 =	simm.s32 @!p0 $0x0;
	s13 =	sor.u32 @!p0 $0x20, s13;
	(ifvalue) =	ssetifvalue @!p0 $0x7FFFFFFF;
	vm0 =	vmmov @!p0 $0xffff  }
0x1a: {  	[tilespmem:s13], [sflag:$0x1] =	stream.indirect_vreg.gather @!p0 [hbm4b:s2+s14], $0x1, v0, vm0, $0x4038;
	[tilespmem:$0x40] =	vst v63  }
0x1b: {  	s14 =	simm.s32 @!p0 $0x1  }
0x1c: {  	_ =	swait.ge @!p0 [sflag:s14], $0x10  }
0x1d: {  	s15 =	sshrl.u32 @!p0 s12, $0x3;
	[sflag:s14] =	ssyncset.done @!p0 $0x0  }
0x1e: {  	s12 =	sand.u32 @!p0 $0x7, s12;
	[sflag:s14] =	ssyncadd.s32 @!p0 $0xFFFFFFF0;
	s14 =	sadd.s32 @!p0 s5, s15  }
0x1f: {  	[hbm4b:s14+s12] =	stream.linear.scatter @!p0 [tilespmem:s13], [sflag:$0x3], $0x10, $0x38;
	[tilespmem:$0x40] =	vst v63  }
0x20: {  	s14 =	sadd.s32 $0x100, s11  }
0x21: {  	s9 =	sadd.s32 $0x10, s9;
	p1 =	sgt.s32 s14, $0x1387  }
0x22: {  	s14 =	smov.u32 @p1 s4;
	p1 =	sne.s32 s8, s9  }
.Ltmp0:
0x23: {  	p0 =	slt.u32 s10, $0x2;
	(pc) =	sbr.rel @p1 .LBB2_1-.Ltmp0, $4  }
0x24: {  	s13 =	simm.s32 @!p0 $0x3  }
0x25: {  	_ =	swait.ge @!p0 [sflag:s13], $0x10  }
0x26: {  	s12 =	smov.u32 s11;
	[sflag:s13] =	ssyncset.done @!p0 $0x0  }
0x27: {  	s10 =	sadd.s32 $0x1, s10;
	s11 =	smov.u32 s14;
	[sflag:s13] =	ssyncadd.s32 @!p0 $0xFFFFFFF0  }
0x28: {  	_ =	sfence.sel $0x180000  }
0x29: {  	s2 =	simm.s32 $0x2;
	[bflag:$0x0] =	sbarrier.arrive $0xFFFF  }
0x2a: {  	s30 =	simm.s32 $0x3;
	[sflag:s2] =	ssyncpa.u1 $0x1  }
0x2b: {  	s31 =	simm.s32 $0x1;
	[sflag:s30] =	ssyncpa.u1 $0x1  }
0x2c: {  	[sflag:s31] =	ssyncpa.u1 $0x1  }
0x2d: {  	p0 =	sne.s32 s1, $0x0;
	_ =	strace $0x9000004A  }
0x2e: {  	s0 =	sadd.s32 @!p0 $0x100000, s0;
	[bflag:$0x2] =	sbarrier.arrive $0xFFFF  }
0x2f: {  	[sflag:s0] =	ssyncadd.tile.s32 @!p0 $0x1;
	_ =	shalt  }
.Lfunc_end2:
_tile_overlayer_lowered:
.L_overlay_start_2:
0x30: {  	(tag) =	ssettag $0x2  }
0x31: {  	s0 =	rddreg [dreg:$0x0];
	s2 =	stileid.u32  }
0x32: {  	s1 =	rddreg [dreg:$0x1];
	p0 =	sne.s32 s2, $0x0  }
0x33: {  	s3 =	rddreg [dreg:$0x2];
	[bflag:$0x3] =	sbarrier.arrive $0xFFFF;
	s2 =	simm.s32 @!p0 $0x1C01  }
0x34: {  	[timem:s3], [sflag:s2] =	dma.local @!p0 [hbm:s0], s1  }
0x35: {  	s0 =	simm.s32 @!p0 $0x1  }
0x36: {  	_ =	swait.ge @!p0 [sflag:s0], s1  }
0x37: {  	s1 =	ssub.s32 @!p0 $0x0, s1;
	[sflag:s0] =	ssyncset.done @!p0 $0x0  }
0x38: {  	[sflag:s0] =	ssyncadd.s32 @!p0 s1  }
0x39: {  	[bflag:$0x3] =	sbarrier.arrive $0xFFFF  }
0x3a: {  	_ =	shalt  }

// kernel: gather_offload_async_start.2
scs
__scs_entry_jumppad:
0x0: {  	(pc) =	sbr.rel $0x88, $3  }
0x1: {  	(tag) =	ssettag $0x0;
	lr =	simm.s32 $0x1  }
0x2: {  	[smem:$0x3F9E] =	sst lr;
	_ =	strace $0xD0000000  }
0x3: {  	_ = 	snop  }
0x4: {  	_ = 	snop  }
0x5: {  	_ = 	snop  }
0x6: {  	_ = 	snop  }
0x7: {  	_ = 	snop  }
__scs_overlays_trampoline_lowered:
0x8: {  	[smem:$0x3FAD] =	sst s0  }
0x9: {  	[smem:$0x3FAE] =	sst s1  }
0xa: {  	[smem:$0x3FAF] =	sst s2  }
0xb: {  	[smem:$0x3FB0] =	sst s3  }
0xc: {  	[smem:$0x3FB1] =	sst s4  }
0xd: {  	[smem:$0x3FB2] =	sst s5  }
0xe: {  	[smem:$0x3FB3] =	sst s6  }
0xf: {  	[smem:$0x3FB4] =	sst s7  }
0x10: {  	[smem:$0x3FB5] =	sst s8  }
0x11: {  	[smem:$0x3FB6] =	sst s9;
	s0 =	simm.s32 @!p0 $0x0  }
0x12: {  	s1 =	sld [smem:$0x3F9C];
	s0 =	simm.s32 @p0 $0x1  }
0x13: {  	[smem:$0x3FB7] =	sst s0;
	s0 =	simm.s32 @!p1 $0x0  }
0x14: {  	s2 =	sld [smem:$0x3F9B];
	s0 =	simm.s32 @p1 $0x1  }
0x15: {  	[smem:$0x3FB8] =	sst s0;
	s0 =	simm.s32 @!p2 $0x0  }
0x16: {  	s3 =	sld [smem:$0x3FDB];
	s0 =	simm.s32 @p2 $0x1  }
0x17: {  	s4 =	simm.s32 $0x1BF5;
	[smem:$0x3FBA] =	sst s0  }
0x18: {  	s0 =	sld [smem:$0x3F9D];
	_ =	swait.ge [sflag:s4], $0x0  }
0x19: {  	s7 =	sld [smem:$0x3F9E]  }
0x1a: {  	s8 =	sadd.s32 $0xFFFFE003, lr  }
0x1b: {  	s9 =	sadd.s32 $0xFFFFFEF7, lr;
	s5 =	simm.s32 $0xFFFFFFFF;
	p2 =	slt.u32 s8, $0xFFFFF086  }
0x1c: {  	p1 =	slt.u32 s9, $0xF7A;
	s5 =	simm.s32 @!p2 $0x0  }
0x1d: {  	s5 =	simm.s32 @p1 $0x1;
	p0 =	seq.s32 s7, s2  }
0x1e: {  	s7 =	smul.u32 @!p0 $0xF7A, s2;
	p2 =	seq.s32 @!p0 s5, $0x0  }
0x1f: {  	s9 =	smul.u32 $0xF7A, s1;
	s8 =	simm.s32 @!p0 $0x1BF5;
	p2 =	por !p2, p0  }
0x20: {  	[sflag:s8] =	ssyncset.s32 @!p0 $0xFFFFF086;
	s6 =	sadd.s32 @!p0 s3, s7;
	s7 =	simm.s32 @!p0 $0x108  }
0x21: {  	s3 =	sadd.s32 s3, s9;
	s6 =	sadd.s32 @!p0 $0x88, s6;
	s7 =	simm.s32 @p2 $0x1082  }
0x22: {  	[simem:s7], [sflag:s8] =	dma.local @!p0 [hbm:s6], $0xF7A  }
0x23: {  	s9 =	sor.u32 $0xD0000000, s2;
	s6 =	simm.s32 $0x108;
	_ =	swait.ge @!p0 [sflag:s8], $0x0  }
0x24: {  	s3 =	sadd.s32 $0x88, s3;
	s6 =	simm.s32 @!p1 $0x1082;
	[sflag:s4] =	ssyncset.s32 $0xFFFFF086  }
0x25: {  	[simem:s6], [sflag:s4] =	dma.local [hbm:s3], $0xF7A  }
0x26: {  	[smem:$0x3F9E] =	sst s1;
	(tag) =	ssettag s2;
	_ =	strace s9  }
0x27: {  	s1 =	sld [smem:$0x3FAE]  }
0x28: {  	s2 =	sld [smem:$0x3FAF]  }
0x29: {  	s4 =	sld [smem:$0x3FB1]  }
0x2a: {  	p0 =	seq.s32 s5, $0x0;
	s5 =	sld [smem:$0x3FB2]  }
0x2b: {  	s6 =	sld [smem:$0x3FB3]  }
0x2c: {  	s7 =	sld [smem:$0x3FB4]  }
0x2d: {  	s3 =	simm.s32 $0x108;
	s8 =	sld [smem:$0x3FB5]  }
0x2e: {  	s3 =	simm.s32 @!p0 $0x1082;
	s9 =	sld [smem:$0x3FB6]  }
0x2f: {  	lr =	sadd.s32 s0, s3;
	s0 =	sld [smem:$0x3FAD]  }
0x30: {  	s3 =	sld [smem:$0x3FB0]  }
0x31: {  	[smem:$0x3FB9] =	sst s10  }
0x32: {  	s10 =	sld [smem:$0x3FB7];
	_ =	sdelay $0x3  }
0x33: {  	p0 =	seq.s32 s10, $0x1;
	s10 =	sld [smem:$0x3FB9];
	_ =	sdelay $0x3  }
0x34: {  	[smem:$0x3FB9] =	sst s10  }
0x35: {  	s10 =	sld [smem:$0x3FB8];
	_ =	sdelay $0x3  }
0x36: {  	p1 =	seq.s32 s10, $0x1;
	s10 =	sld [smem:$0x3FB9];
	_ =	sdelay $0x3  }
0x37: {  	[smem:$0x3FB9] =	sst s10  }
0x38: {  	s10 =	sld [smem:$0x3FBA]  }
0x39: {  	_ = 	snop;
	(pc) =	sbr.ind lr, $3  }
0x3a: {  	_ = 	snop  }
0x3b: {  	_ = 	snop  }
0x3c: {  	p2 =	seq.s32 s10, $0x1;
	s10 =	sld [smem:$0x3FB9]  }
0x3d: {  	_ =	shalt  }
0x3e: {  	_ =	shalt  }
0x3f: {  	_ =	shalt  }
0x40: {  	_ =	shalt  }
0x41: {  	_ =	shalt  }
0x42: {  	_ =	shalt  }
0x43: {  	_ =	shalt  }
0x44: {  	_ =	shalt  }
0x45: {  	_ =	shalt  }
0x46: {  	_ =	shalt  }
0x47: {  	_ =	shalt  }
0x48: {  	_ =	shalt  }
0x49: {  	_ =	shalt  }
0x4a: {  	_ =	shalt  }
0x4b: {  	_ =	shalt  }
0x4c: {  	_ =	shalt  }
0x4d: {  	_ =	shalt  }
0x4e: {  	_ =	shalt  }
0x4f: {  	_ =	shalt  }
0x50: {  	_ =	shalt  }
0x51: {  	_ =	shalt  }
0x52: {  	_ =	shalt  }
0x53: {  	_ =	shalt  }
0x54: {  	_ =	shalt  }
0x55: {  	_ =	shalt  }
0x56: {  	_ =	shalt  }
0x57: {  	_ =	shalt  }
0x58: {  	_ =	shalt  }
0x59: {  	_ =	shalt  }
0x5a: {  	_ =	shalt  }
0x5b: {  	_ =	shalt  }
0x5c: {  	_ =	shalt  }
0x5d: {  	_ =	shalt  }
0x5e: {  	_ =	shalt  }
0x5f: {  	_ =	shalt  }
0x60: {  	_ =	shalt  }
0x61: {  	_ =	shalt  }
0x62: {  	_ =	shalt  }
0x63: {  	_ =	shalt  }
0x64: {  	_ =	shalt  }
0x65: {  	_ =	shalt  }
0x66: {  	_ =	shalt  }
0x67: {  	_ =	shalt  }
0x68: {  	_ =	shalt  }
0x69: {  	_ =	shalt  }
0x6a: {  	_ =	shalt  }
0x6b: {  	_ =	shalt  }
0x6c: {  	_ =	shalt  }
0x6d: {  	_ =	shalt  }
0x6e: {  	_ =	shalt  }
0x6f: {  	_ =	shalt  }
0x70: {  	_ =	shalt  }
0x71: {  	_ =	shalt  }
0x72: {  	_ =	shalt  }
0x73: {  	_ =	shalt  }
0x74: {  	_ =	shalt  }
0x75: {  	_ =	shalt  }
0x76: {  	_ =	shalt  }
0x77: {  	_ =	shalt  }
0x78: {  	_ =	shalt  }
0x79: {  	_ =	shalt  }
0x7a: {  	_ =	shalt  }
0x7b: {  	_ =	shalt  }
0x7c: {  	_ =	shalt  }
0x7d: {  	_ =	shalt  }
0x7e: {  	_ =	shalt  }
0x7f: {  	_ =	shalt  }
0x80: {  	_ =	shalt  }
0x81: {  	_ =	shalt  }
0x82: {  	_ =	shalt  }
0x83: {  	_ =	shalt  }
0x84: {  	_ =	shalt  }
0x85: {  	_ =	shalt  }
0x86: {  	_ =	shalt  }
0x87: {  	_ =	shalt  }
.Lfunc_end0:
.L_simem_size_0:
called_computation.2_lowered:
.L_overlay_start_0:
0x88: {  	s0 =	sld [smem:$0x3FD9]  }
0x89: {  	s1 =	sld [smem:$0x3FFE];
	_ =	sdelay $0x3  }
0x8a: {  	s0 =	sadd.s32 s1, s0  }
0x8b: {  	[smem:$0x3FC5] =	sst s0  }
0x8c: {  	_ = 	snop  }
0x8d: {  	(tm) =	ssettm $0x1  }
0x8e: {  	s15 =	sld [smem:$0x3FFB];
	_ =	sdelay $0x3  }
0x8f: {  	_ =	strace s15  }
0x90: {  	s0 =	sld [smem:$0x3FFC];
	_ =	sdelay $0x3  }
0x91: {  	_ =	strace s0  }
0x92: {  	s0 =	sld [smem:$0x3FFD];
	_ =	sdelay $0x3  }
0x93: {  	_ =	strace s0  }
0x94: {  	_ =	strace $0x8FFFFFFF  }
0x95: {  	s16 =	sld [smem:$0x3FDB];
	_ =	sdelay $0x1  }
0x96: {  	s17 =	simm.s32 $_scs_section_size  }
0x97: {  	s2 =	simm.s32 $_size__tile_overlayer_lowered;
	s3 =	simm.s32 $_tile_overlayer_lowered  }
0x98: {  	s20 =	simm.s32 $0x1BFF;
	s19 =	sshll.u32 s3, $0x1;
	s0 =	sadd.s32 s17, s16  }
0x99: {  	s4 =	simm.s32 $0x0;
	s18 =	sshll.u32 s2, $0x1;
	s2 =	sadd.s32 s19, s0  }
0x9a: {  	[timem:s4], [sflag:s20] =	dma.local [hbm:s2], s18  }
0x9b: {  	_ =	swait.ge [sflag:s20], s18  }
0x9c: {  	s1 =	ssub.s32 $0x0, s18;
	[sflag:s20] =	ssyncset.done $0x0  }
0x9d: {  	[sflag:s20] =	ssyncadd.s32 s1;
	_ =	sdelay $0x1  }
0x9e: {  	s21 =	simm.s32 $0x1B8B  }
0x9f: {  	_ =	swait.ge [sflag:s21], $0x1  }
0xa0: {  	[sflag:s21] =	ssyncset.done $0x0  }
0xa1: {  	s23 =	simm.s32 $0x1B8E;
	s22 =	sld [smem:$0x3FFE];
	[sflag:s21] =	ssyncadd.s32 $0xFFFFFFFF  }
0xa2: {  	s24 =	simm.s32 $execute0_lowered;
	[smem:$0x3FD2] =	sst s23  }
0xa3: {  	s2 =	sshll.u32 s24, $0x1;
	_ =	strace $0x8000004F;
	[dreg:$0x1] =	wrdreg $0xFFFFFFFF  }
0xa4: {  	s25 =	simm.s32 $_size_execute0_lowered;
	s0 =	sadd.s32 s0, s2;
	[dreg:$0x0] =	wrdreg $0x0  }
0xa5: {  	s2 =	sshll.u32 s25, $0x1;
	[dreg:$0x2] =	wrdreg s0  }
0xa6: {  	[dreg:$0x3] =	wrdreg s2  }
0xa7: {  	[dreg:$0x4] =	wrdreg $0xC0  }
0xa8: {  	_ =	task [dreg:s4], $0x5FFFF  }
0xa9: {  	[dreg:$0x1] =	wrdreg $0xFFFFFFFF  }
0xaa: {  	[dreg:$0x0] =	wrdreg $0x60  }
0xab: {  	[dreg:$0x2] =	wrdreg s22  }
0xac: {  	[dreg:$0x3] =	wrdreg $0x9  }
0xad: {  	_ =	task.clear_ibuf [dreg:s4], $0x4FFFF;
	_ =	strace $0x9000004F  }
0xae: {  	s26 =	simm.s32 $0x9;
	_ =	strace $0x80000051  }
0xaf: {  	_ =	swait.ge [sflag:s26], $0x1  }
0xb0: {  	[sflag:s26] =	ssyncadd.s32 $0xFFFFFFFF  }
0xb1: {  	_ =	strace $0x90000051  }
0xb2: {  	_ =	sfence  }
0xb3: {  	s28 =	sld [smem:$0x0];
	_ =	sdelay $0x1  }
0xb4: {  	s29 =	srdreg.scid  }
0xb5: {  	s30 =	sshll.u32 s29, $0xD;
	s31 =	sshrl.u32 s29, $0x2  }
0xb6: {  	s1 =	sand.u32 $0x1, s29;
	s2 =	sand.u32 $0x4000, s30;
	s0 =	sadd.s32 s31, s28  }
0xb7: {  	s1 =	sor.u32 s2, s1;
	s0 =	sshll.u32 s0, $0x11  }
0xb8: {  	s0 =	sor.u32 s0, s1  }
0xb9: {  	s0 =	sadd.s32 $0x8F2B, s0  }
0xba: {  	[sflag:s0] =	ssyncadd.remote.s32 $0x1  }
0xbb: {  	_ =	sfence.sel $0xFFFF  }
0xbc: {  	[dreg:$0x0] =	wrdreg $0xFFFFFFFF;
	(pc) =	sbr.abs _section_cstart, $3  }
0xbd: {  	[dreg:$0x1] =	wrdreg $0xFFFFFFFF  }
0xbe: {  	_ =	task.clear_ibuf [dreg:s4], $0x2FFFF;
	_ =	strace $0x9FFFFFFF  }
0xbf: {  	(tm) =	ssettm $0x7FFFFFFF  }
tec
execute0_lowered:
.L_overlay_start_1:
0x0: {  	(tag) =	ssettag $0x1  }
0x1: {  	s0 =	stileid.u32  }
0x2: {  	s1 =	smin.u32 s0, $0x9  }
0x3: {  	s1 =	sadd.s32 s0, s1  }
0x4: {  	s2 =	simm.s32 $0x190;
	p0 =	slt.u32 s0, $0x9;
	s1 =	smul.u32 $0xC8, s1  }
0x5: {  	s2 =	simm.s32 @!p0 $0xC8  }
0x6: {  	s2 =	sadd.s32 s2, s1  }
0x7: {  	s3 =	smin.u32 s2, $0x1388  }
0x8: {  	s7 =	ssub.s32 s3, s1  }
0x9: {  	p0 =	sgt.s32 s7, $0x0  }
0xa: {  	s7 =	simm.s32 @!p0 $0x0  }
0xb: {  	s31 =	sand.u32 $0xFFF8, s7  }
0xc: {  	s2 =	sshrl.u32 s31, $0x3  }
0xd: {  	s2 =	smul.u32 $0x147B, s2  }
0xe: {  	s4 =	rddreg [dreg:$0x0];
	s6 =	simm.s32 $0x1  }
0xf: {  	s10 =	simm.s32 $0x3;
	s13 =	simm.s32 $0x0;
	s8 =	sshrl.u32 s2, $0x11  }
0x10: {  	s12 =	simm.s32 $0x0;
	s5 =	sadd.s32 $0x1200, s4;
	s9 =	smul.u32 $0xC8, s8  }
.Ltmp0:
0x11: {  	s11 =	smov.u32 s1;
	s2 =	rddreg [dreg:$0x1];
	(pc) =	sbr.rel .LBB2_1-.Ltmp0, $4  }
0x12: {  	_ =	strace $0x80000050;
	p0 =	sne.s32 s7, s9;
	s9 =	simm.s32 $0x1  }
0x13: {  	[sflag:s6] =	ssyncpa.u1 $0x0;
	s7 =	simm.s32 $0x2;
	s9 =	simm.s32 @!p0 $0x0  }
0x14: {  	[sflag:s7] =	ssyncpa.u1 $0x0;
	p0 =	por $0x0, $0x0;
	s8 =	sadd.s32 s8, s9  }
0x15: {  	vm0 =	vmmov $0xff;
	vm1 =	vcmask $0x3F20;
	s9 =	sadd.s32 $0x15200, s4;
	[sflag:s10] =	ssyncpa.u1 $0x0;
	s10 =	sadd.s32 $0x1, s8  }
.LBB2_6:
0x16: {  	[hbm:s17] =	stream.linear.scatter [tilespmem:s14], [sflag:$0x3], $0x400, $0x38;
	[tilespmem:$0xC990] =	vst v63  }
.LBB2_7:
0x17: {  	s13 =	sadd.s32 $0xC8, s11  }
0x18: {  	s15 =	smov.u32 s1;
	p2 =	slt.s32 s13, s3  }
0x19: {  	s15 =	smov.u32 @p2 s13;
	p2 =	sne.s32 s12, s10  }
.Ltmp1:
0x1a: {  	p1 =	slt.u32 s12, $0x2;
	(pc) =	sbr.rel @!p2 .LBB2_8-.Ltmp1, $4  }
0x1b: {  	s14 =	simm.s32 @!p1 $0x3  }
0x1c: {  	s16 =	sadd.s32 $0x1, s12;
	_ =	swait.ge @!p1 [sflag:s14], $0x6400  }
0x1d: {  	p0 =	por !p0, !p0;
	s13 =	smov.u32 s11;
	[sflag:s14] =	ssyncset.done @!p1 $0x0  }
0x1e: {  	s12 =	smov.u32 s16;
	s11 =	smov.u32 s15;
	[sflag:s14] =	ssyncadd.s32 @!p1 $0xFFFF9C00  }
.LBB2_1:
0x1f: {  	p1 =	sge.u32 s12, s8  }
0x20: {  	s14 =	sxor.u32 @!p1 $0xFFFFFFFF, s12  }
0x21: {  	s14 =	sand.u32 @!p1 $0x1, s14  }
0x22: {  	s14 =	smul.u32 @!p1 $0x320, s14  }
0x23: {  	s31 =	sadd.s32 $0xFFFFFFFF, s12;
	s15 =	sshrl.u32 @!p1 s11, $0x3  }
0x24: {  	s16 =	sand.u32 @!p1 $0x7, s11;
	s15 =	sadd.s32 @!p1 s4, s15;
	s14 =	sshrl.u32 @!p1 s14, $0x2  }
0x25: {  	[tilespmem:s14], [sflag:$0x2] =	stream.linear.gather @!p1 [hbm4b:s15+s16], $0xC8, $0x38;
	[tilespmem:$0xC990] =	vst v63  }
0x26: {  	p1 =	sge.u32 s31, s8  }
.Ltmp2:
0x27: {  	_ = 	snop;
	(pc) =	sbr.rel @p1 .LBB2_7-.Ltmp2, $1  }
0x28: {  	_ =	sdelay $0x3  }
0x29: {  	s14 =	simm.s32 $0x1  }
0x2a: {  	s14 =	simm.s32 @!p0 $0x0  }
0x2b: {  	s15 =	smul.u32 $0x320, s14  }
0x2c: {  	_ =	swait.ge [sflag:s7], $0xC8  }
0x2d: {  	[sflag:s7] =	ssyncset.done $0x0;
	s16 =	sshrl.u32 s15, $0x2  }
0x2e: {  	[sflag:s7] =	ssyncadd.s32 $0xFFFFFF38;
	s15 =	sadd.s32 $0x0, s16  }
0x2f: {  	v0 =	vld.msk [tilespmem:s15+$0x0 ss:$0x1], $0xffff;
	_ =	sdelay $0x4  }
0x30: {  	vm2 =	vgt.s32 v0, $0x0  }
0x31: {  	v0 =	vnsel vm2, $0x0, v0  }
0x32: {  	v0 =	vmin.u32 v0, $0x1387  }
0x33: {  	v0 =	vshll.u32 v0, $0x4  }
0x34: {  	s14 =	smul.u32 $0x19000, s14  }
0x35: {  	s31 =	sand.u32 $0x1, s12  }
0x36: {  	s17 =	smul.u32 $0x320, s31;
	s14 =	sshrl.u32 s14, $0x2  }
0x37: {  	s19 =	smul.u32 $0x19000, s31;
	s14 =	sor.u32 $0x190, s14  }
0x38: {  	[tilespmem:s14], [sflag:$0x1] =	stream.indirect_vreg.gather [hbm:s5], $0x80, v0, vm0, $0x38;
	[tilespmem:$0xC990] =	vst v63  }
0x39: {  	s18 =	sshrl.u32 s17, $0x2;
	s20 =	sadd.s32 $0x10, s16;
	s15 =	sadd.s32 $0x400, s14  }
0x3a: {  	[tilespmem:s15], [sflag:$0x1] =	stream.indirect_vreg.gather [hbm:s5], $0x80, v0, vm1, $0x38;
	[tilespmem:$0xC990] =	vst v63  }
0x3b: {  	s17 =	sshrl.u32 s19, $0x2;
	s19 =	smov.u32 s14;
	v0 =	vld.msk [tilespmem:s20+$0x0 ss:$0x1], $0xffff;
	s20 =	simm.s32 $0x80  }
.LBB2_3:
0x3c: {  	p1 =	sne.s32 s20, $0x2C0;
	_ =	sdelay $0x4  }
0x3d: {  	vm2 =	vgt.s32 v0, $0x0  }
0x3e: {  	v0 =	vnsel vm2, $0x0, v0  }
0x3f: {  	v0 =	vmin.u32 v0, $0x1387  }
0x40: {  	v0 =	vshll.u32 v0, $0x4;
	_ =	sdelay $0x3  }
.Ltmp3:
0x41: {  	s21 =	sshra.s32 s20, $0x2;
	s19 =	sadd.s32 $0x800, s19;
	(pc) =	sbr.rel @p1 .LBB2_3-.Ltmp3, $4  }
0x42: {  	[tilespmem:s19], [sflag:$0x1] =	stream.indirect_vreg.gather [hbm:s5], $0x80, v0, vm0, $0x38;
	[tilespmem:$0xC990] =	vst v63  }
0x43: {  	s21 =	sadd.s32 s21, s16;
	s22 =	sadd.s32 $0x400, s19  }
0x44: {  	[tilespmem:s22], [sflag:$0x1] =	stream.indirect_vreg.gather [hbm:s5], $0x80, v0, vm1, $0x38;
	[tilespmem:$0xC990] =	vst v63  }
0x45: {  	s20 =	sadd.s32 $0x40, s20;
	v0 =	vld.msk [tilespmem:s21+$0x0 ss:$0x1], $0xffff  }
0x46: {  	_ =	sdelay $0x3  }
0x47: {  	vm2 =	vgt.s32 v0, $0x0  }
0x48: {  	v0 =	vnsel vm2, $0x0, v0  }
0x49: {  	v0 =	vmin.u32 v0, $0x1387  }
0x4a: {  	v0 =	vshll.u32 v0, $0x4;
	_ =	sdelay $0x3  }
0x4b: {  	s16 =	sadd.s32 $0x800, s19  }
0x4c: {  	[tilespmem:s16], [sflag:$0x1] =	stream.indirect_vreg.gather [hbm:s5], $0x80, v0, vm0, $0x38;
	[tilespmem:$0xC990] =	vst v63  }
0x4d: {  	s16 =	sadd.s32 $0x400, s16  }
0x4e: {  	[tilespmem:s16], [sflag:$0x1] =	stream.indirect_vreg.gather [hbm:s5], $0x80, v0, vm1, $0x38;
	[tilespmem:$0xC990] =	vst v63  }
0x4f: {  	v0 =	vld.msk [tilespmem:s18+$0xC0 ss:$0x1], $0xff;
	_ =	sdelay $0x4  }
0x50: {  	vm2 =	vgt.s32 v0, $0x0  }
0x51: {  	v0 =	vnsel vm2, $0x0, v0  }
0x52: {  	v0 =	vmin.u32 v0, $0x1387  }
0x53: {  	v0 =	vshll.u32 v0, $0x4;
	_ =	sdelay $0x3  }
0x54: {  	s31 =	sadd.s32 $0x6190, s17  }
0x55: {  	[tilespmem:s31], [sflag:$0x1] =	stream.indirect_vreg.gather [hbm:s5], $0x80, v0, vm0, $0x38;
	[tilespmem:$0xC990] =	vst v63  }
0x56: {  	s13 =	sshll.u32 s13, $0x4;
	_ =	swait.ge [sflag:s6], $0x6400  }
0x57: {  	s13 =	sadd.s32 s13, s9;
	[sflag:s6] =	ssyncset.done $0x0  }
0x58: {  	s17 =	sadd.s32 $0x0, s13;
	s16 =	simm.s32 $0x80;
	[sflag:s6] =	ssyncadd.s32 $0xFFFF9C00  }
.LBB2_5:
0x59: {  	[hbm:s17] =	stream.linear.scatter [tilespmem:s14], [sflag:$0x3], $0x400, $0x38;
	[tilespmem:$0xC990] =	vst v63  }
0x5a: {  	s17 =	smov.u32 s16;
	s14 =	smov.u32 s15;
	p1 =	sne.s32 s16, $0xC00  }
.Ltmp4:
0x5b: {  	s16 =	sadd.s32 $0x80, s16;
	(pc) =	sbr.rel @p1 .LBB2_5-.Ltmp4, $2  }
0x5c: {  	_ =	sdelay $0x2  }
0x5d: {  	s15 =	sadd.s32 $0x400, s15;
	s17 =	sadd.s32 s17, s13  }
.Ltmp5:
0x5e: {  	_ = 	snop;
	(pc) =	sbr.rel .LBB2_6-.Ltmp5, $1  }
0x5f: {  	_ =	sdelay $0x3  }
.LBB2_8:
0x60: {  	_ =	sfence.sel $0x180000  }
0x61: {  	s1 =	simm.s32 $0x2;
	[bflag:$0x0] =	sbarrier.arrive $0xFFFF  }
0x62: {  	s30 =	simm.s32 $0x3;
	[sflag:s1] =	ssyncpa.u1 $0x1  }
0x63: {  	s31 =	simm.s32 $0x1;
	[sflag:s30] =	ssyncpa.u1 $0x1  }
0x64: {  	[sflag:s31] =	ssyncpa.u1 $0x1  }
0x65: {  	p0 =	sne.s32 s0, $0x0;
	_ =	strace $0x90000050  }
0x66: {  	s0 =	sadd.s32 @!p0 $0x100000, s2;
	[bflag:$0x2] =	sbarrier.arrive $0xFFFF  }
0x67: {  	[sflag:s0] =	ssyncadd.tile.s32 @!p0 $0x1;
	_ =	shalt  }
.Lfunc_end2:
_tile_overlayer_lowered:
.L_overlay_start_2:
0x68: {  	(tag) =	ssettag $0x2  }
0x69: {  	s0 =	rddreg [dreg:$0x0];
	s2 =	stileid.u32  }
0x6a: {  	s1 =	rddreg [dreg:$0x1];
	p0 =	sne.s32 s2, $0x0  }
0x6b: {  	s3 =	rddreg [dreg:$0x2];
	[bflag:$0x3] =	sbarrier.arrive $0xFFFF;
	s2 =	simm.s32 @!p0 $0x1C01  }
0x6c: {  	[timem:s3], [sflag:s2] =	dma.local @!p0 [hbm:s0], s1  }
0x6d: {  	s0 =	simm.s32 @!p0 $0x1  }
0x6e: {  	_ =	swait.ge @!p0 [sflag:s0], s1  }
0x6f: {  	s1 =	ssub.s32 @!p0 $0x0, s1;
	[sflag:s0] =	ssyncset.done @!p0 $0x0  }
0x70: {  	[sflag:s0] =	ssyncadd.s32 @!p0 s1  }
0x71: {  	[bflag:$0x3] =	sbarrier.arrive $0xFFFF  }
0x72: {  	_ =	shalt  }

// kernel: gather_offload_async_start.3
scs
__scs_entry_jumppad:
0x0: {  	(pc) =	sbr.rel $0x88, $3  }
0x1: {  	(tag) =	ssettag $0x0;
	lr =	simm.s32 $0x1  }
0x2: {  	[smem:$0x3F9E] =	sst lr;
	_ =	strace $0xD0000000  }
0x3: {  	_ = 	snop  }
0x4: {  	_ = 	snop  }
0x5: {  	_ = 	snop  }
0x6: {  	_ = 	snop  }
0x7: {  	_ = 	snop  }
__scs_overlays_trampoline_lowered:
0x8: {  	[smem:$0x3FAD] =	sst s0  }
0x9: {  	[smem:$0x3FAE] =	sst s1  }
0xa: {  	[smem:$0x3FAF] =	sst s2  }
0xb: {  	[smem:$0x3FB0] =	sst s3  }
0xc: {  	[smem:$0x3FB1] =	sst s4  }
0xd: {  	[smem:$0x3FB2] =	sst s5  }
0xe: {  	[smem:$0x3FB3] =	sst s6  }
0xf: {  	[smem:$0x3FB4] =	sst s7  }
0x10: {  	[smem:$0x3FB5] =	sst s8  }
0x11: {  	[smem:$0x3FB6] =	sst s9;
	s0 =	simm.s32 @!p0 $0x0  }
0x12: {  	s1 =	sld [smem:$0x3F9C];
	s0 =	simm.s32 @p0 $0x1  }
0x13: {  	[smem:$0x3FB7] =	sst s0;
	s0 =	simm.s32 @!p1 $0x0  }
0x14: {  	s2 =	sld [smem:$0x3F9B];
	s0 =	simm.s32 @p1 $0x1  }
0x15: {  	[smem:$0x3FB8] =	sst s0;
	s0 =	simm.s32 @!p2 $0x0  }
0x16: {  	s3 =	sld [smem:$0x3FDB];
	s0 =	simm.s32 @p2 $0x1  }
0x17: {  	s4 =	simm.s32 $0x1BF5;
	[smem:$0x3FBA] =	sst s0  }
0x18: {  	s0 =	sld [smem:$0x3F9D];
	_ =	swait.ge [sflag:s4], $0x0  }
0x19: {  	s7 =	sld [smem:$0x3F9E]  }
0x1a: {  	s8 =	sadd.s32 $0xFFFFE003, lr  }
0x1b: {  	s9 =	sadd.s32 $0xFFFFFEF7, lr;
	s5 =	simm.s32 $0xFFFFFFFF;
	p2 =	slt.u32 s8, $0xFFFFF086  }
0x1c: {  	p1 =	slt.u32 s9, $0xF7A;
	s5 =	simm.s32 @!p2 $0x0  }
0x1d: {  	s5 =	simm.s32 @p1 $0x1;
	p0 =	seq.s32 s7, s2  }
0x1e: {  	s7 =	smul.u32 @!p0 $0xF7A, s2;
	p2 =	seq.s32 @!p0 s5, $0x0  }
0x1f: {  	s9 =	smul.u32 $0xF7A, s1;
	s8 =	simm.s32 @!p0 $0x1BF5;
	p2 =	por !p2, p0  }
0x20: {  	[sflag:s8] =	ssyncset.s32 @!p0 $0xFFFFF086;
	s6 =	sadd.s32 @!p0 s3, s7;
	s7 =	simm.s32 @!p0 $0x108  }
0x21: {  	s3 =	sadd.s32 s3, s9;
	s6 =	sadd.s32 @!p0 $0x88, s6;
	s7 =	simm.s32 @p2 $0x1082  }
0x22: {  	[simem:s7], [sflag:s8] =	dma.local @!p0 [hbm:s6], $0xF7A  }
0x23: {  	s9 =	sor.u32 $0xD0000000, s2;
	s6 =	simm.s32 $0x108;
	_ =	swait.ge @!p0 [sflag:s8], $0x0  }
0x24: {  	s3 =	sadd.s32 $0x88, s3;
	s6 =	simm.s32 @!p1 $0x1082;
	[sflag:s4] =	ssyncset.s32 $0xFFFFF086  }
0x25: {  	[simem:s6], [sflag:s4] =	dma.local [hbm:s3], $0xF7A  }
0x26: {  	[smem:$0x3F9E] =	sst s1;
	(tag) =	ssettag s2;
	_ =	strace s9  }
0x27: {  	s1 =	sld [smem:$0x3FAE]  }
0x28: {  	s2 =	sld [smem:$0x3FAF]  }
0x29: {  	s4 =	sld [smem:$0x3FB1]  }
0x2a: {  	p0 =	seq.s32 s5, $0x0;
	s5 =	sld [smem:$0x3FB2]  }
0x2b: {  	s6 =	sld [smem:$0x3FB3]  }
0x2c: {  	s7 =	sld [smem:$0x3FB4]  }
0x2d: {  	s3 =	simm.s32 $0x108;
	s8 =	sld [smem:$0x3FB5]  }
0x2e: {  	s3 =	simm.s32 @!p0 $0x1082;
	s9 =	sld [smem:$0x3FB6]  }
0x2f: {  	lr =	sadd.s32 s0, s3;
	s0 =	sld [smem:$0x3FAD]  }
0x30: {  	s3 =	sld [smem:$0x3FB0]  }
0x31: {  	[smem:$0x3FB9] =	sst s10  }
0x32: {  	s10 =	sld [smem:$0x3FB7];
	_ =	sdelay $0x3  }
0x33: {  	p0 =	seq.s32 s10, $0x1;
	s10 =	sld [smem:$0x3FB9];
	_ =	sdelay $0x3  }
0x34: {  	[smem:$0x3FB9] =	sst s10  }
0x35: {  	s10 =	sld [smem:$0x3FB8];
	_ =	sdelay $0x3  }
0x36: {  	p1 =	seq.s32 s10, $0x1;
	s10 =	sld [smem:$0x3FB9];
	_ =	sdelay $0x3  }
0x37: {  	[smem:$0x3FB9] =	sst s10  }
0x38: {  	s10 =	sld [smem:$0x3FBA]  }
0x39: {  	_ = 	snop;
	(pc) =	sbr.ind lr, $3  }
0x3a: {  	_ = 	snop  }
0x3b: {  	_ = 	snop  }
0x3c: {  	p2 =	seq.s32 s10, $0x1;
	s10 =	sld [smem:$0x3FB9]  }
0x3d: {  	_ =	shalt  }
0x3e: {  	_ =	shalt  }
0x3f: {  	_ =	shalt  }
0x40: {  	_ =	shalt  }
0x41: {  	_ =	shalt  }
0x42: {  	_ =	shalt  }
0x43: {  	_ =	shalt  }
0x44: {  	_ =	shalt  }
0x45: {  	_ =	shalt  }
0x46: {  	_ =	shalt  }
0x47: {  	_ =	shalt  }
0x48: {  	_ =	shalt  }
0x49: {  	_ =	shalt  }
0x4a: {  	_ =	shalt  }
0x4b: {  	_ =	shalt  }
0x4c: {  	_ =	shalt  }
0x4d: {  	_ =	shalt  }
0x4e: {  	_ =	shalt  }
0x4f: {  	_ =	shalt  }
0x50: {  	_ =	shalt  }
0x51: {  	_ =	shalt  }
0x52: {  	_ =	shalt  }
0x53: {  	_ =	shalt  }
0x54: {  	_ =	shalt  }
0x55: {  	_ =	shalt  }
0x56: {  	_ =	shalt  }
0x57: {  	_ =	shalt  }
0x58: {  	_ =	shalt  }
0x59: {  	_ =	shalt  }
0x5a: {  	_ =	shalt  }
0x5b: {  	_ =	shalt  }
0x5c: {  	_ =	shalt  }
0x5d: {  	_ =	shalt  }
0x5e: {  	_ =	shalt  }
0x5f: {  	_ =	shalt  }
0x60: {  	_ =	shalt  }
0x61: {  	_ =	shalt  }
0x62: {  	_ =	shalt  }
0x63: {  	_ =	shalt  }
0x64: {  	_ =	shalt  }
0x65: {  	_ =	shalt  }
0x66: {  	_ =	shalt  }
0x67: {  	_ =	shalt  }
0x68: {  	_ =	shalt  }
0x69: {  	_ =	shalt  }
0x6a: {  	_ =	shalt  }
0x6b: {  	_ =	shalt  }
0x6c: {  	_ =	shalt  }
0x6d: {  	_ =	shalt  }
0x6e: {  	_ =	shalt  }
0x6f: {  	_ =	shalt  }
0x70: {  	_ =	shalt  }
0x71: {  	_ =	shalt  }
0x72: {  	_ =	shalt  }
0x73: {  	_ =	shalt  }
0x74: {  	_ =	shalt  }
0x75: {  	_ =	shalt  }
0x76: {  	_ =	shalt  }
0x77: {  	_ =	shalt  }
0x78: {  	_ =	shalt  }
0x79: {  	_ =	shalt  }
0x7a: {  	_ =	shalt  }
0x7b: {  	_ =	shalt  }
0x7c: {  	_ =	shalt  }
0x7d: {  	_ =	shalt  }
0x7e: {  	_ =	shalt  }
0x7f: {  	_ =	shalt  }
0x80: {  	_ =	shalt  }
0x81: {  	_ =	shalt  }
0x82: {  	_ =	shalt  }
0x83: {  	_ =	shalt  }
0x84: {  	_ =	shalt  }
0x85: {  	_ =	shalt  }
0x86: {  	_ =	shalt  }
0x87: {  	_ =	shalt  }
.Lfunc_end0:
.L_simem_size_0:
called_computation.3_lowered:
.L_overlay_start_0:
0x88: {  	s0 =	sld [smem:$0x3FD9]  }
0x89: {  	s1 =	sld [smem:$0x3FFE];
	_ =	sdelay $0x3  }
0x8a: {  	s0 =	sadd.s32 s1, s0  }
0x8b: {  	[smem:$0x3FC5] =	sst s0  }
0x8c: {  	_ = 	snop  }
0x8d: {  	s0 =	sld [smem:$0x3FC7]  }
0x8e: {  	s16 =	sld [smem:$0x3FD0];
	(tm) =	ssettm $0x1  }
0x8f: {  	s2 =	sld [smem:$0x3FFB];
	_ =	sdelay $0x3  }
0x90: {  	_ =	strace s2  }
0x91: {  	s2 =	sld [smem:$0x3FFC];
	_ =	sdelay $0x3  }
0x92: {  	_ =	strace s2  }
0x93: {  	s2 =	sld [smem:$0x3FFD];
	_ =	sdelay $0x3  }
0x94: {  	_ =	strace s2  }
0x95: {  	_ =	strace $0x8FFFFFFF  }
0x96: {  	s17 =	sld [smem:$0x3FDB];
	_ =	sdelay $0x1  }
0x97: {  	s3 =	simm.s32 $_scs_section_size  }
0x98: {  	s4 =	simm.s32 $_size__tile_overlayer_lowered;
	s5 =	simm.s32 $_tile_overlayer_lowered  }
0x99: {  	s20 =	simm.s32 $0x1BFF;
	s19 =	sshll.u32 s5, $0x1;
	s2 =	sadd.s32 s3, s17  }
0x9a: {  	s6 =	simm.s32 $0x0;
	s18 =	sshll.u32 s4, $0x1;
	s4 =	sadd.s32 s19, s2  }
0x9b: {  	[timem:s6], [sflag:s20] =	dma.local [hbm:s4], s18  }
0x9c: {  	_ =	swait.ge [sflag:s20], s18  }
0x9d: {  	s3 =	ssub.s32 $0x0, s18;
	[sflag:s20] =	ssyncset.done $0x0  }
0x9e: {  	[sflag:s20] =	ssyncadd.s32 s3;
	_ =	sdelay $0x1  }
0x9f: {  	s21 =	simm.s32 $0x1B8B  }
0xa0: {  	_ =	swait.ge [sflag:s21], $0x1  }
0xa1: {  	[sflag:s21] =	ssyncset.done $0x0  }
0xa2: {  	s23 =	simm.s32 $0x1B8E;
	s22 =	sld [smem:$0x3FFE];
	[sflag:s21] =	ssyncadd.s32 $0xFFFFFFFF  }
0xa3: {  	s24 =	simm.s32 $execute0_lowered;
	[smem:$0x3FD2] =	sst s23  }
0xa4: {  	s4 =	sshll.u32 s24, $0x1;
	_ =	strace $0x8000004C;
	[dreg:$0x1] =	wrdreg $0xFFFFFFFF  }
0xa5: {  	s25 =	simm.s32 $_size_execute0_lowered;
	s2 =	sadd.s32 s2, s4;
	[dreg:$0x0] =	wrdreg $0x0  }
0xa6: {  	s4 =	sshll.u32 s25, $0x1;
	[dreg:$0x2] =	wrdreg s2  }
0xa7: {  	[dreg:$0x3] =	wrdreg s4  }
0xa8: {  	[dreg:$0x4] =	wrdreg $0xC0  }
0xa9: {  	_ =	task [dreg:s6], $0x5FFFF  }
0xaa: {  	[dreg:$0x1] =	wrdreg $0xFFFFFFFF  }
0xab: {  	[dreg:$0x0] =	wrdreg $0x60  }
0xac: {  	[dreg:$0x2] =	wrdreg s0  }
0xad: {  	[dreg:$0x3] =	wrdreg s22  }
0xae: {  	[dreg:$0x4] =	wrdreg s16  }
0xaf: {  	[dreg:$0x5] =	wrdreg $0x9  }
0xb0: {  	_ =	task.clear_ibuf [dreg:s6], $0x6FFFF;
	_ =	strace $0x9000004C  }
0xb1: {  	s26 =	simm.s32 $0x9;
	_ =	strace $0x8000004E  }
0xb2: {  	_ =	swait.ge [sflag:s26], $0x1  }
0xb3: {  	[sflag:s26] =	ssyncadd.s32 $0xFFFFFFFF  }
0xb4: {  	_ =	strace $0x9000004E  }
0xb5: {  	_ =	sfence  }
0xb6: {  	s28 =	sld [smem:$0x0];
	_ =	sdelay $0x1  }
0xb7: {  	s29 =	srdreg.scid  }
0xb8: {  	s30 =	sshll.u32 s29, $0xD;
	s31 =	sshrl.u32 s29, $0x2  }
0xb9: {  	s1 =	sand.u32 $0x1, s29;
	s2 =	sand.u32 $0x4000, s30;
	s0 =	sadd.s32 s31, s28  }
0xba: {  	s1 =	sor.u32 s2, s1;
	s0 =	sshll.u32 s0, $0x11  }
0xbb: {  	s0 =	sor.u32 s0, s1  }
0xbc: {  	s0 =	sadd.s32 $0x8F2B, s0  }
0xbd: {  	[sflag:s0] =	ssyncadd.remote.s32 $0x1  }
0xbe: {  	_ =	sfence.sel $0xFFFF  }
0xbf: {  	[dreg:$0x0] =	wrdreg $0xFFFFFFFF;
	(pc) =	sbr.abs _section_cstart, $3  }
0xc0: {  	[dreg:$0x1] =	wrdreg $0xFFFFFFFF  }
0xc1: {  	_ =	task.clear_ibuf [dreg:s6], $0x2FFFF;
	_ =	strace $0x9FFFFFFF  }
0xc2: {  	(tm) =	ssettm $0x7FFFFFFF  }
0xc3: {  	_ =	shalt  }
tec
execute0_lowered:
.L_overlay_start_1:
0x0: {  	(tag) =	ssettag $0x1  }
0x1: {  	s2 =	rddreg [dreg:$0x0]  }
0x2: {  	s3 =	rddreg [dreg:$0x1]  }
0x3: {  	s4 =	rddreg [dreg:$0x2];
	s1 =	stileid.u32  }
0x4: {  	s0 =	rddreg [dreg:$0x3];
	_ =	strace $0x8000004D;
	s6 =	simm.s32 $0x1  }
0x5: {  	s8 =	simm.s32 $0x2;
	s30 =	simm.s32 $0x3;
	s5 =	sshll.u32 s1, $0x4  }
0x6: {  	s12 =	simm.s32 $0x0;
	s9 =	simm.s32 $0x0;
	s7 =	ssub.s32 $0x1380, s5  }
0x7: {  	s10 =	simm.s32 $0x0;
	[sflag:s6] =	ssyncpa.u1 $0x0;
	s6 =	sshrl.u32 s7, $0x8  }
0x8: {  	[sflag:s8] =	ssyncpa.u1 $0x0;
	s11 =	smov.u32 s5;
	s31 =	sshll.u32 s6, $0x4  }
0x9: {  	[sflag:s30] =	ssyncpa.u1 $0x0;
	s7 =	sadd.s32 $0x2, s6;
	s8 =	sadd.s32 $0x30, s31  }
.LBB2_1:
0xa: {  	p0 =	sgt.u32 s10, s6  }
0xb: {  	s13 =	sxor.u32 @!p0 $0xFFFFFFFF, s9;
	s14 =	sshrl.u32 @!p0 s11, $0x3  }
0xc: {  	s15 =	sand.u32 @!p0 $0x7, s11;
	s13 =	sand.u32 @!p0 $0x10, s13;
	s14 =	sadd.s32 @!p0 s3, s14  }
0xd: {  	[tilespmem:s13], [sflag:$0x2] =	stream.linear.gather @!p0 [hbm4b:s14+s15], $0x10, $0x38;
	[tilespmem:$0x40] =	vst v63  }
0xe: {  	p0 =	seq.s32 s9, $0x0  }
0xf: {  	p1 =	sge.u32 @!p0 s10, s7  }
0x10: {  	p0 =	por p1, p0  }
0x11: {  	s13 =	simm.s32 @!p0 $0x2  }
0x12: {  	_ =	swait.ge @!p0 [sflag:s13], $0x10  }
0x13: {  	[sflag:s13] =	ssyncset.done @!p0 $0x0  }
0x14: {  	[sflag:s13] =	ssyncadd.s32 @!p0 $0xFFFFFFF0;
	s13 =	sand.u32 @!p0 $0x10, s9  }
0x15: {  	(ifvalue) =	ssetifvalue @!p0 $0x7FFFFFFF;
	v0 =	vld.msk @!p0 [tilespmem:s13+$0x0 ss:$0x1], $0xffff;
	_ =	sdelay $0x4  }
0x16: {  	vm0 =	vgt.s32 @!p0 v0, $0x0  }
0x17: {  	v0 =	vnsel @!p0 vm0, $0x0, v0  }
0x18: {  	v0 =	vmin.u32 @!p0 v0, $0x1387;
	_ =	sdelay $0x3  }
0x19: {  	s14 =	simm.s32 @!p0 $0x0;
	s13 =	sor.u32 @!p0 $0x20, s13;
	(ifvalue) =	ssetifvalue @!p0 $0x7FFFFFFF;
	vm0 =	vmmov @!p0 $0xffff  }
0x1a: {  	[tilespmem:s13], [sflag:$0x1] =	stream.indirect_vreg.gather @!p0 [hbm4b:s2+s14], $0x1, v0, vm0, $0x4038;
	[tilespmem:$0x40] =	vst v63  }
0x1b: {  	s14 =	simm.s32 @!p0 $0x1  }
0x1c: {  	_ =	swait.ge @!p0 [sflag:s14], $0x10  }
0x1d: {  	s15 =	sshrl.u32 @!p0 s12, $0x3;
	[sflag:s14] =	ssyncset.done @!p0 $0x0  }
0x1e: {  	s12 =	sand.u32 @!p0 $0x7, s12;
	[sflag:s14] =	ssyncadd.s32 @!p0 $0xFFFFFFF0;
	s14 =	sadd.s32 @!p0 s4, s15  }
0x1f: {  	[hbm4b:s14+s12] =	stream.linear.scatter @!p0 [tilespmem:s13], [sflag:$0x3], $0x10, $0x38;
	[tilespmem:$0x40] =	vst v63  }
0x20: {  	s14 =	sadd.s32 $0x100, s11  }
0x21: {  	s9 =	sadd.s32 $0x10, s9;
	p1 =	sgt.s32 s14, $0x1387  }
0x22: {  	s14 =	smov.u32 @p1 s5;
	p1 =	sne.s32 s8, s9  }
.Ltmp0:
0x23: {  	p0 =	slt.u32 s10, $0x2;
	(pc) =	sbr.rel @p1 .LBB2_1-.Ltmp0, $4  }
0x24: {  	s13 =	simm.s32 @!p0 $0x3  }
0x25: {  	_ =	swait.ge @!p0 [sflag:s13], $0x10  }
0x26: {  	s12 =	smov.u32 s11;
	[sflag:s13] =	ssyncset.done @!p0 $0x0  }
0x27: {  	s10 =	sadd.s32 $0x1, s10;
	s11 =	smov.u32 s14;
	[sflag:s13] =	ssyncadd.s32 @!p0 $0xFFFFFFF0  }
0x28: {  	_ =	sfence.sel $0x180000  }
0x29: {  	s2 =	simm.s32 $0x2;
	[bflag:$0x0] =	sbarrier.arrive $0xFFFF  }
0x2a: {  	s30 =	simm.s32 $0x3;
	[sflag:s2] =	ssyncpa.u1 $0x1  }
0x2b: {  	s31 =	simm.s32 $0x1;
	[sflag:s30] =	ssyncpa.u1 $0x1  }
0x2c: {  	[sflag:s31] =	ssyncpa.u1 $0x1  }
0x2d: {  	p0 =	sne.s32 s1, $0x0;
	_ =	strace $0x9000004D  }
0x2e: {  	s0 =	sadd.s32 @!p0 $0x100000, s0;
	[bflag:$0x2] =	sbarrier.arrive $0xFFFF  }
0x2f: {  	[sflag:s0] =	ssyncadd.tile.s32 @!p0 $0x1;
	_ =	shalt  }
.Lfunc_end2:
_tile_overlayer_lowered:
.L_overlay_start_2:
0x30: {  	(tag) =	ssettag $0x2  }
0x31: {  	s0 =	rddreg [dreg:$0x0];
	s2 =	stileid.u32  }
0x32: {  	s1 =	rddreg [dreg:$0x1];
	p0 =	sne.s32 s2, $0x0  }
0x33: {  	s3 =	rddreg [dreg:$0x2];
	[bflag:$0x3] =	sbarrier.arrive $0xFFFF;
	s2 =	simm.s32 @!p0 $0x1C01  }
0x34: {  	[timem:s3], [sflag:s2] =	dma.local @!p0 [hbm:s0], s1  }
0x35: {  	s0 =	simm.s32 @!p0 $0x1  }
0x36: {  	_ =	swait.ge @!p0 [sflag:s0], s1  }
0x37: {  	s1 =	ssub.s32 @!p0 $0x0, s1;
	[sflag:s0] =	ssyncset.done @!p0 $0x0  }
0x38: {  	[sflag:s0] =	ssyncadd.s32 @!p0 s1  }
0x39: {  	[bflag:$0x3] =	sbarrier.arrive $0xFFFF  }
0x3a: {  	_ =	shalt  }

// kernel: gather_offload_async_start.4
scs
__scs_entry_jumppad:
0x0: {  	(pc) =	sbr.rel $0x88, $3  }
0x1: {  	(tag) =	ssettag $0x0;
	lr =	simm.s32 $0x1  }
0x2: {  	[smem:$0x3F9E] =	sst lr;
	_ =	strace $0xD0000000  }
0x3: {  	_ = 	snop  }
0x4: {  	_ = 	snop  }
0x5: {  	_ = 	snop  }
0x6: {  	_ = 	snop  }
0x7: {  	_ = 	snop  }
__scs_overlays_trampoline_lowered:
0x8: {  	[smem:$0x3FAD] =	sst s0  }
0x9: {  	[smem:$0x3FAE] =	sst s1  }
0xa: {  	[smem:$0x3FAF] =	sst s2  }
0xb: {  	[smem:$0x3FB0] =	sst s3  }
0xc: {  	[smem:$0x3FB1] =	sst s4  }
0xd: {  	[smem:$0x3FB2] =	sst s5  }
0xe: {  	[smem:$0x3FB3] =	sst s6  }
0xf: {  	[smem:$0x3FB4] =	sst s7  }
0x10: {  	[smem:$0x3FB5] =	sst s8  }
0x11: {  	[smem:$0x3FB6] =	sst s9;
	s0 =	simm.s32 @!p0 $0x0  }
0x12: {  	s1 =	sld [smem:$0x3F9C];
	s0 =	simm.s32 @p0 $0x1  }
0x13: {  	[smem:$0x3FB7] =	sst s0;
	s0 =	simm.s32 @!p1 $0x0  }
0x14: {  	s2 =	sld [smem:$0x3F9B];
	s0 =	simm.s32 @p1 $0x1  }
0x15: {  	[smem:$0x3FB8] =	sst s0;
	s0 =	simm.s32 @!p2 $0x0  }
0x16: {  	s3 =	sld [smem:$0x3FDB];
	s0 =	simm.s32 @p2 $0x1  }
0x17: {  	s4 =	simm.s32 $0x1BF5;
	[smem:$0x3FBA] =	sst s0  }
0x18: {  	s0 =	sld [smem:$0x3F9D];
	_ =	swait.ge [sflag:s4], $0x0  }
0x19: {  	s7 =	sld [smem:$0x3F9E]  }
0x1a: {  	s8 =	sadd.s32 $0xFFFFE003, lr  }
0x1b: {  	s9 =	sadd.s32 $0xFFFFFEF7, lr;
	s5 =	simm.s32 $0xFFFFFFFF;
	p2 =	slt.u32 s8, $0xFFFFF086  }
0x1c: {  	p1 =	slt.u32 s9, $0xF7A;
	s5 =	simm.s32 @!p2 $0x0  }
0x1d: {  	s5 =	simm.s32 @p1 $0x1;
	p0 =	seq.s32 s7, s2  }
0x1e: {  	s7 =	smul.u32 @!p0 $0xF7A, s2;
	p2 =	seq.s32 @!p0 s5, $0x0  }
0x1f: {  	s9 =	smul.u32 $0xF7A, s1;
	s8 =	simm.s32 @!p0 $0x1BF5;
	p2 =	por !p2, p0  }
0x20: {  	[sflag:s8] =	ssyncset.s32 @!p0 $0xFFFFF086;
	s6 =	sadd.s32 @!p0 s3, s7;
	s7 =	simm.s32 @!p0 $0x108  }
0x21: {  	s3 =	sadd.s32 s3, s9;
	s6 =	sadd.s32 @!p0 $0x88, s6;
	s7 =	simm.s32 @p2 $0x1082  }
0x22: {  	[simem:s7], [sflag:s8] =	dma.local @!p0 [hbm:s6], $0xF7A  }
0x23: {  	s9 =	sor.u32 $0xD0000000, s2;
	s6 =	simm.s32 $0x108;
	_ =	swait.ge @!p0 [sflag:s8], $0x0  }
0x24: {  	s3 =	sadd.s32 $0x88, s3;
	s6 =	simm.s32 @!p1 $0x1082;
	[sflag:s4] =	ssyncset.s32 $0xFFFFF086  }
0x25: {  	[simem:s6], [sflag:s4] =	dma.local [hbm:s3], $0xF7A  }
0x26: {  	[smem:$0x3F9E] =	sst s1;
	(tag) =	ssettag s2;
	_ =	strace s9  }
0x27: {  	s1 =	sld [smem:$0x3FAE]  }
0x28: {  	s2 =	sld [smem:$0x3FAF]  }
0x29: {  	s4 =	sld [smem:$0x3FB1]  }
0x2a: {  	p0 =	seq.s32 s5, $0x0;
	s5 =	sld [smem:$0x3FB2]  }
0x2b: {  	s6 =	sld [smem:$0x3FB3]  }
0x2c: {  	s7 =	sld [smem:$0x3FB4]  }
0x2d: {  	s3 =	simm.s32 $0x108;
	s8 =	sld [smem:$0x3FB5]  }
0x2e: {  	s3 =	simm.s32 @!p0 $0x1082;
	s9 =	sld [smem:$0x3FB6]  }
0x2f: {  	lr =	sadd.s32 s0, s3;
	s0 =	sld [smem:$0x3FAD]  }
0x30: {  	s3 =	sld [smem:$0x3FB0]  }
0x31: {  	[smem:$0x3FB9] =	sst s10  }
0x32: {  	s10 =	sld [smem:$0x3FB7];
	_ =	sdelay $0x3  }
0x33: {  	p0 =	seq.s32 s10, $0x1;
	s10 =	sld [smem:$0x3FB9];
	_ =	sdelay $0x3  }
0x34: {  	[smem:$0x3FB9] =	sst s10  }
0x35: {  	s10 =	sld [smem:$0x3FB8];
	_ =	sdelay $0x3  }
0x36: {  	p1 =	seq.s32 s10, $0x1;
	s10 =	sld [smem:$0x3FB9];
	_ =	sdelay $0x3  }
0x37: {  	[smem:$0x3FB9] =	sst s10  }
0x38: {  	s10 =	sld [smem:$0x3FBA]  }
0x39: {  	_ = 	snop;
	(pc) =	sbr.ind lr, $3  }
0x3a: {  	_ = 	snop  }
0x3b: {  	_ = 	snop  }
0x3c: {  	p2 =	seq.s32 s10, $0x1;
	s10 =	sld [smem:$0x3FB9]  }
0x3d: {  	_ =	shalt  }
0x3e: {  	_ =	shalt  }
0x3f: {  	_ =	shalt  }
0x40: {  	_ =	shalt  }
0x41: {  	_ =	shalt  }
0x42: {  	_ =	shalt  }
0x43: {  	_ =	shalt  }
0x44: {  	_ =	shalt  }
0x45: {  	_ =	shalt  }
0x46: {  	_ =	shalt  }
0x47: {  	_ =	shalt  }
0x48: {  	_ =	shalt  }
0x49: {  	_ =	shalt  }
0x4a: {  	_ =	shalt  }
0x4b: {  	_ =	shalt  }
0x4c: {  	_ =	shalt  }
0x4d: {  	_ =	shalt  }
0x4e: {  	_ =	shalt  }
0x4f: {  	_ =	shalt  }
0x50: {  	_ =	shalt  }
0x51: {  	_ =	shalt  }
0x52: {  	_ =	shalt  }
0x53: {  	_ =	shalt  }
0x54: {  	_ =	shalt  }
0x55: {  	_ =	shalt  }
0x56: {  	_ =	shalt  }
0x57: {  	_ =	shalt  }
0x58: {  	_ =	shalt  }
0x59: {  	_ =	shalt  }
0x5a: {  	_ =	shalt  }
0x5b: {  	_ =	shalt  }
0x5c: {  	_ =	shalt  }
0x5d: {  	_ =	shalt  }
0x5e: {  	_ =	shalt  }
0x5f: {  	_ =	shalt  }
0x60: {  	_ =	shalt  }
0x61: {  	_ =	shalt  }
0x62: {  	_ =	shalt  }
0x63: {  	_ =	shalt  }
0x64: {  	_ =	shalt  }
0x65: {  	_ =	shalt  }
0x66: {  	_ =	shalt  }
0x67: {  	_ =	shalt  }
0x68: {  	_ =	shalt  }
0x69: {  	_ =	shalt  }
0x6a: {  	_ =	shalt  }
0x6b: {  	_ =	shalt  }
0x6c: {  	_ =	shalt  }
0x6d: {  	_ =	shalt  }
0x6e: {  	_ =	shalt  }
0x6f: {  	_ =	shalt  }
0x70: {  	_ =	shalt  }
0x71: {  	_ =	shalt  }
0x72: {  	_ =	shalt  }
0x73: {  	_ =	shalt  }
0x74: {  	_ =	shalt  }
0x75: {  	_ =	shalt  }
0x76: {  	_ =	shalt  }
0x77: {  	_ =	shalt  }
0x78: {  	_ =	shalt  }
0x79: {  	_ =	shalt  }
0x7a: {  	_ =	shalt  }
0x7b: {  	_ =	shalt  }
0x7c: {  	_ =	shalt  }
0x7d: {  	_ =	shalt  }
0x7e: {  	_ =	shalt  }
0x7f: {  	_ =	shalt  }
0x80: {  	_ =	shalt  }
0x81: {  	_ =	shalt  }
0x82: {  	_ =	shalt  }
0x83: {  	_ =	shalt  }
0x84: {  	_ =	shalt  }
0x85: {  	_ =	shalt  }
0x86: {  	_ =	shalt  }
0x87: {  	_ =	shalt  }
.Lfunc_end0:
.L_simem_size_0:
called_computation.4_lowered:
.L_overlay_start_0:
0x88: {  	s0 =	sld [smem:$0x3FD9]  }
0x89: {  	s1 =	sld [smem:$0x3FFE];
	_ =	sdelay $0x3  }
0x8a: {  	s0 =	sadd.s32 s1, s0  }
0x8b: {  	[smem:$0x3FC5] =	sst s0  }
0x8c: {  	_ = 	snop  }
0x8d: {  	s0 =	sld [smem:$0x3FC8];
	(tm) =	ssettm $0x1  }
0x8e: {  	s16 =	sld [smem:$0x3FFB];
	_ =	sdelay $0x3  }
0x8f: {  	_ =	strace s16  }
0x90: {  	s1 =	sld [smem:$0x3FFC];
	_ =	sdelay $0x3  }
0x91: {  	_ =	strace s1  }
0x92: {  	s1 =	sld [smem:$0x3FFD];
	_ =	sdelay $0x3  }
0x93: {  	_ =	strace s1  }
0x94: {  	_ =	strace $0x8FFFFFFF  }
0x95: {  	s17 =	sld [smem:$0x3FDB];
	_ =	sdelay $0x1  }
0x96: {  	s2 =	simm.s32 $_scs_section_size  }
0x97: {  	s3 =	simm.s32 $_size__tile_overlayer_lowered;
	s4 =	simm.s32 $_tile_overlayer_lowered  }
0x98: {  	s20 =	simm.s32 $0x1BFF;
	s19 =	sshll.u32 s4, $0x1;
	s1 =	sadd.s32 s2, s17  }
0x99: {  	s5 =	simm.s32 $0x0;
	s18 =	sshll.u32 s3, $0x1;
	s3 =	sadd.s32 s19, s1  }
0x9a: {  	[timem:s5], [sflag:s20] =	dma.local [hbm:s3], s18  }
0x9b: {  	_ =	swait.ge [sflag:s20], s18  }
0x9c: {  	s2 =	ssub.s32 $0x0, s18;
	[sflag:s20] =	ssyncset.done $0x0  }
0x9d: {  	[sflag:s20] =	ssyncadd.s32 s2;
	_ =	sdelay $0x1  }
0x9e: {  	s21 =	simm.s32 $0x1B8B  }
0x9f: {  	_ =	swait.ge [sflag:s21], $0x1  }
0xa0: {  	[sflag:s21] =	ssyncset.done $0x0  }
0xa1: {  	s23 =	simm.s32 $0x1B8E;
	s22 =	sld [smem:$0x3FFE];
	[sflag:s21] =	ssyncadd.s32 $0xFFFFFFFF  }
0xa2: {  	s24 =	simm.s32 $execute0_lowered;
	[smem:$0x3FD2] =	sst s23  }
0xa3: {  	s3 =	sshll.u32 s24, $0x1;
	_ =	strace $0x80000052;
	[dreg:$0x1] =	wrdreg $0xFFFFFFFF  }
0xa4: {  	s25 =	simm.s32 $_size_execute0_lowered;
	s1 =	sadd.s32 s1, s3;
	[dreg:$0x0] =	wrdreg $0x0  }
0xa5: {  	s3 =	sshll.u32 s25, $0x1;
	[dreg:$0x2] =	wrdreg s1  }
0xa6: {  	[dreg:$0x3] =	wrdreg s3  }
0xa7: {  	[dreg:$0x4] =	wrdreg $0xC0  }
0xa8: {  	_ =	task [dreg:s5], $0x5FFFF  }
0xa9: {  	[dreg:$0x1] =	wrdreg $0xFFFFFFFF  }
0xaa: {  	[dreg:$0x0] =	wrdreg $0x60  }
0xab: {  	[dreg:$0x2] =	wrdreg s0  }
0xac: {  	[dreg:$0x3] =	wrdreg s22  }
0xad: {  	[dreg:$0x4] =	wrdreg $0x9  }
0xae: {  	_ =	task.clear_ibuf [dreg:s5], $0x5FFFF;
	_ =	strace $0x90000052  }
0xaf: {  	s26 =	simm.s32 $0x9;
	_ =	strace $0x80000054  }
0xb0: {  	_ =	swait.ge [sflag:s26], $0x1  }
0xb1: {  	[sflag:s26] =	ssyncadd.s32 $0xFFFFFFFF  }
0xb2: {  	_ =	strace $0x90000054  }
0xb3: {  	_ =	sfence  }
0xb4: {  	s28 =	sld [smem:$0x0];
	_ =	sdelay $0x1  }
0xb5: {  	s29 =	srdreg.scid  }
0xb6: {  	s30 =	sshll.u32 s29, $0xD;
	s31 =	sshrl.u32 s29, $0x2  }
0xb7: {  	s2 =	sand.u32 $0x4000, s30;
	s1 =	sand.u32 $0x1, s29;
	s0 =	sadd.s32 s31, s28  }
0xb8: {  	s1 =	sor.u32 s2, s1;
	s0 =	sshll.u32 s0, $0x11  }
0xb9: {  	s0 =	sor.u32 s0, s1  }
0xba: {  	s0 =	sadd.s32 $0x8F2B, s0  }
0xbb: {  	[sflag:s0] =	ssyncadd.remote.s32 $0x1  }
0xbc: {  	_ =	sfence.sel $0xFFFF  }
0xbd: {  	[dreg:$0x0] =	wrdreg $0xFFFFFFFF;
	(pc) =	sbr.abs _section_cstart, $3  }
0xbe: {  	[dreg:$0x1] =	wrdreg $0xFFFFFFFF  }
0xbf: {  	_ =	task.clear_ibuf [dreg:s5], $0x2FFFF;
	_ =	strace $0x9FFFFFFF  }
0xc0: {  	(tm) =	ssettm $0x7FFFFFFF  }
0xc1: {  	_ =	shalt  }
tec
execute0_lowered:
.L_overlay_start_1:
0x0: {  	(tag) =	ssettag $0x1  }
0x1: {  	s2 =	rddreg [dreg:$0x0]  }
0x2: {  	s3 =	rddreg [dreg:$0x1]  }
0x3: {  	s0 =	rddreg [dreg:$0x2];
	s1 =	stileid.u32  }
0x4: {  	_ =	strace $0x80000053;
	s6 =	simm.s32 $0x1;
	s8 =	simm.s32 $0x2  }
0x5: {  	s30 =	simm.s32 $0x3;
	s12 =	simm.s32 $0x0;
	s4 =	sshll.u32 s1, $0x4  }
0x6: {  	s9 =	simm.s32 $0x0;
	s10 =	simm.s32 $0x0;
	s7 =	ssub.s32 $0x1380, s4  }
0x7: {  	s5 =	sadd.s32 $0x1E00, s3;
	[sflag:s6] =	ssyncpa.u1 $0x0;
	s6 =	sshrl.u32 s7, $0x8  }
0x8: {  	[sflag:s8] =	ssyncpa.u1 $0x0;
	s11 =	smov.u32 s4;
	s31 =	sshll.u32 s6, $0x4  }
0x9: {  	[sflag:s30] =	ssyncpa.u1 $0x0;
	s7 =	sadd.s32 $0x2, s6;
	s8 =	sadd.s32 $0x30, s31  }
.LBB2_1:
0xa: {  	p0 =	sgt.u32 s10, s6  }
0xb: {  	s13 =	sxor.u32 @!p0 $0xFFFFFFFF, s9;
	s14 =	sshrl.u32 @!p0 s11, $0x3  }
0xc: {  	s15 =	sand.u32 @!p0 $0x7, s11;
	s13 =	sand.u32 @!p0 $0x10, s13;
	s14 =	sadd.s32 @!p0 s3, s14  }
0xd: {  	[tilespmem:s13], [sflag:$0x2] =	stream.linear.gather @!p0 [hbm4b:s14+s15], $0x10, $0x38;
	[tilespmem:$0x40] =	vst v63  }
0xe: {  	p0 =	seq.s32 s9, $0x0  }
0xf: {  	p1 =	sge.u32 @!p0 s10, s7  }
0x10: {  	p0 =	por p1, p0  }
0x11: {  	s13 =	simm.s32 @!p0 $0x2  }
0x12: {  	_ =	swait.ge @!p0 [sflag:s13], $0x10  }
0x13: {  	[sflag:s13] =	ssyncset.done @!p0 $0x0  }
0x14: {  	[sflag:s13] =	ssyncadd.s32 @!p0 $0xFFFFFFF0;
	s13 =	sand.u32 @!p0 $0x10, s9  }
0x15: {  	(ifvalue) =	ssetifvalue @!p0 $0x7FFFFFFF;
	v0 =	vld.msk @!p0 [tilespmem:s13+$0x0 ss:$0x1], $0xffff;
	_ =	sdelay $0x4  }
0x16: {  	vm0 =	vgt.s32 @!p0 v0, $0x0  }
0x17: {  	v0 =	vnsel @!p0 vm0, $0x0, v0  }
0x18: {  	v0 =	vmin.u32 @!p0 v0, $0x1387;
	_ =	sdelay $0x3  }
0x19: {  	s14 =	simm.s32 @!p0 $0x0;
	s13 =	sor.u32 @!p0 $0x20, s13;
	(ifvalue) =	ssetifvalue @!p0 $0x7FFFFFFF;
	vm0 =	vmmov @!p0 $0xffff  }
0x1a: {  	[tilespmem:s13], [sflag:$0x1] =	stream.indirect_vreg.gather @!p0 [hbm4b:s2+s14], $0x1, v0, vm0, $0x4038;
	[tilespmem:$0x40] =	vst v63  }
0x1b: {  	s14 =	simm.s32 @!p0 $0x1  }
0x1c: {  	_ =	swait.ge @!p0 [sflag:s14], $0x10  }
0x1d: {  	s15 =	sshrl.u32 @!p0 s12, $0x3;
	[sflag:s14] =	ssyncset.done @!p0 $0x0  }
0x1e: {  	s12 =	sand.u32 @!p0 $0x7, s12;
	[sflag:s14] =	ssyncadd.s32 @!p0 $0xFFFFFFF0;
	s14 =	sadd.s32 @!p0 s5, s15  }
0x1f: {  	[hbm4b:s14+s12] =	stream.linear.scatter @!p0 [tilespmem:s13], [sflag:$0x3], $0x10, $0x38;
	[tilespmem:$0x40] =	vst v63  }
0x20: {  	s14 =	sadd.s32 $0x100, s11  }
0x21: {  	s9 =	sadd.s32 $0x10, s9;
	p1 =	sgt.s32 s14, $0x1387  }
0x22: {  	s14 =	smov.u32 @p1 s4;
	p1 =	sne.s32 s8, s9  }
.Ltmp0:
0x23: {  	p0 =	slt.u32 s10, $0x2;
	(pc) =	sbr.rel @p1 .LBB2_1-.Ltmp0, $4  }
0x24: {  	s13 =	simm.s32 @!p0 $0x3  }
0x25: {  	_ =	swait.ge @!p0 [sflag:s13], $0x10  }
0x26: {  	s12 =	smov.u32 s11;
	[sflag:s13] =	ssyncset.done @!p0 $0x0  }
0x27: {  	s10 =	sadd.s32 $0x1, s10;
	s11 =	smov.u32 s14;
	[sflag:s13] =	ssyncadd.s32 @!p0 $0xFFFFFFF0  }
0x28: {  	_ =	sfence.sel $0x180000  }
0x29: {  	s2 =	simm.s32 $0x2;
	[bflag:$0x0] =	sbarrier.arrive $0xFFFF  }
0x2a: {  	s30 =	simm.s32 $0x3;
	[sflag:s2] =	ssyncpa.u1 $0x1  }
0x2b: {  	s31 =	simm.s32 $0x1;
	[sflag:s30] =	ssyncpa.u1 $0x1  }
0x2c: {  	[sflag:s31] =	ssyncpa.u1 $0x1  }
0x2d: {  	p0 =	sne.s32 s1, $0x0;
	_ =	strace $0x90000053  }
0x2e: {  	s0 =	sadd.s32 @!p0 $0x100000, s0;
	[bflag:$0x2] =	sbarrier.arrive $0xFFFF  }
0x2f: {  	[sflag:s0] =	ssyncadd.tile.s32 @!p0 $0x1;
	_ =	shalt  }
.Lfunc_end2:
_tile_overlayer_lowered:
.L_overlay_start_2:
0x30: {  	(tag) =	ssettag $0x2  }
0x31: {  	s0 =	rddreg [dreg:$0x0];
	s2 =	stileid.u32  }
0x32: {  	s1 =	rddreg [dreg:$0x1];
	p0 =	sne.s32 s2, $0x0  }
0x33: {  	s3 =	rddreg [dreg:$0x2];
	[bflag:$0x3] =	sbarrier.arrive $0xFFFF;
	s2 =	simm.s32 @!p0 $0x1C01  }
0x34: {  	[timem:s3], [sflag:s2] =	dma.local @!p0 [hbm:s0], s1  }
0x35: {  	s0 =	simm.s32 @!p0 $0x1  }
0x36: {  	_ =	swait.ge @!p0 [sflag:s0], s1  }
0x37: {  	s1 =	ssub.s32 @!p0 $0x0, s1;
	[sflag:s0] =	ssyncset.done @!p0 $0x0  }
0x38: {  	[sflag:s0] =	ssyncadd.s32 @!p0 s1  }
0x39: {  	[bflag:$0x3] =	sbarrier.arrive $0xFFFF  }
0x3a: {  	_ =	shalt  }

// kernel: gather_offload_async_start
scs
__scs_entry_jumppad:
0x0: {  	(pc) =	sbr.rel $0x88, $3  }
0x1: {  	(tag) =	ssettag $0x0;
	lr =	simm.s32 $0x1  }
0x2: {  	[smem:$0x3F9E] =	sst lr;
	_ =	strace $0xD0000000  }
0x3: {  	_ = 	snop  }
0x4: {  	_ = 	snop  }
0x5: {  	_ = 	snop  }
0x6: {  	_ = 	snop  }
0x7: {  	_ = 	snop  }
__scs_overlays_trampoline_lowered:
0x8: {  	[smem:$0x3FAD] =	sst s0  }
0x9: {  	[smem:$0x3FAE] =	sst s1  }
0xa: {  	[smem:$0x3FAF] =	sst s2  }
0xb: {  	[smem:$0x3FB0] =	sst s3  }
0xc: {  	[smem:$0x3FB1] =	sst s4  }
0xd: {  	[smem:$0x3FB2] =	sst s5  }
0xe: {  	[smem:$0x3FB3] =	sst s6  }
0xf: {  	[smem:$0x3FB4] =	sst s7  }
0x10: {  	[smem:$0x3FB5] =	sst s8  }
0x11: {  	[smem:$0x3FB6] =	sst s9;
	s0 =	simm.s32 @!p0 $0x0  }
0x12: {  	s1 =	sld [smem:$0x3F9C];
	s0 =	simm.s32 @p0 $0x1  }
0x13: {  	[smem:$0x3FB7] =	sst s0;
	s0 =	simm.s32 @!p1 $0x0  }
0x14: {  	s2 =	sld [smem:$0x3F9B];
	s0 =	simm.s32 @p1 $0x1  }
0x15: {  	[smem:$0x3FB8] =	sst s0;
	s0 =	simm.s32 @!p2 $0x0  }
0x16: {  	s3 =	sld [smem:$0x3FDB];
	s0 =	simm.s32 @p2 $0x1  }
0x17: {  	s4 =	simm.s32 $0x1BF5;
	[smem:$0x3FBA] =	sst s0  }
0x18: {  	s0 =	sld [smem:$0x3F9D];
	_ =	swait.ge [sflag:s4], $0x0  }
0x19: {  	s7 =	sld [smem:$0x3F9E]  }
0x1a: {  	s8 =	sadd.s32 $0xFFFFE003, lr  }
0x1b: {  	s9 =	sadd.s32 $0xFFFFFEF7, lr;
	s5 =	simm.s32 $0xFFFFFFFF;
	p2 =	slt.u32 s8, $0xFFFFF086  }
0x1c: {  	p1 =	slt.u32 s9, $0xF7A;
	s5 =	simm.s32 @!p2 $0x0  }
0x1d: {  	s5 =	simm.s32 @p1 $0x1;
	p0 =	seq.s32 s7, s2  }
0x1e: {  	s7 =	smul.u32 @!p0 $0xF7A, s2;
	p2 =	seq.s32 @!p0 s5, $0x0  }
0x1f: {  	s9 =	smul.u32 $0xF7A, s1;
	s8 =	simm.s32 @!p0 $0x1BF5;
	p2 =	por !p2, p0  }
0x20: {  	[sflag:s8] =	ssyncset.s32 @!p0 $0xFFFFF086;
	s6 =	sadd.s32 @!p0 s3, s7;
	s7 =	simm.s32 @!p0 $0x108  }
0x21: {  	s3 =	sadd.s32 s3, s9;
	s6 =	sadd.s32 @!p0 $0x88, s6;
	s7 =	simm.s32 @p2 $0x1082  }
0x22: {  	[simem:s7], [sflag:s8] =	dma.local @!p0 [hbm:s6], $0xF7A  }
0x23: {  	s9 =	sor.u32 $0xD0000000, s2;
	s6 =	simm.s32 $0x108;
	_ =	swait.ge @!p0 [sflag:s8], $0x0  }
0x24: {  	s3 =	sadd.s32 $0x88, s3;
	s6 =	simm.s32 @!p1 $0x1082;
	[sflag:s4] =	ssyncset.s32 $0xFFFFF086  }
0x25: {  	[simem:s6], [sflag:s4] =	dma.local [hbm:s3], $0xF7A  }
0x26: {  	[smem:$0x3F9E] =	sst s1;
	(tag) =	ssettag s2;
	_ =	strace s9  }
0x27: {  	s1 =	sld [smem:$0x3FAE]  }
0x28: {  	s2 =	sld [smem:$0x3FAF]  }
0x29: {  	s4 =	sld [smem:$0x3FB1]  }
0x2a: {  	p0 =	seq.s32 s5, $0x0;
	s5 =	sld [smem:$0x3FB2]  }
0x2b: {  	s6 =	sld [smem:$0x3FB3]  }
0x2c: {  	s7 =	sld [smem:$0x3FB4]  }
0x2d: {  	s3 =	simm.s32 $0x108;
	s8 =	sld [smem:$0x3FB5]  }
0x2e: {  	s3 =	simm.s32 @!p0 $0x1082;
	s9 =	sld [smem:$0x3FB6]  }
0x2f: {  	lr =	sadd.s32 s0, s3;
	s0 =	sld [smem:$0x3FAD]  }
0x30: {  	s3 =	sld [smem:$0x3FB0]  }
0x31: {  	[smem:$0x3FB9] =	sst s10  }
0x32: {  	s10 =	sld [smem:$0x3FB7];
	_ =	sdelay $0x3  }
0x33: {  	p0 =	seq.s32 s10, $0x1;
	s10 =	sld [smem:$0x3FB9];
	_ =	sdelay $0x3  }
0x34: {  	[smem:$0x3FB9] =	sst s10  }
0x35: {  	s10 =	sld [smem:$0x3FB8];
	_ =	sdelay $0x3  }
0x36: {  	p1 =	seq.s32 s10, $0x1;
	s10 =	sld [smem:$0x3FB9];
	_ =	sdelay $0x3  }
0x37: {  	[smem:$0x3FB9] =	sst s10  }
0x38: {  	s10 =	sld [smem:$0x3FBA]  }
0x39: {  	_ = 	snop;
	(pc) =	sbr.ind lr, $3  }
0x3a: {  	_ = 	snop  }
0x3b: {  	_ = 	snop  }
0x3c: {  	p2 =	seq.s32 s10, $0x1;
	s10 =	sld [smem:$0x3FB9]  }
0x3d: {  	_ =	shalt  }
0x3e: {  	_ =	shalt  }
0x3f: {  	_ =	shalt  }
0x40: {  	_ =	shalt  }
0x41: {  	_ =	shalt  }
0x42: {  	_ =	shalt  }
0x43: {  	_ =	shalt  }
0x44: {  	_ =	shalt  }
0x45: {  	_ =	shalt  }
0x46: {  	_ =	shalt  }
0x47: {  	_ =	shalt  }
0x48: {  	_ =	shalt  }
0x49: {  	_ =	shalt  }
0x4a: {  	_ =	shalt  }
0x4b: {  	_ =	shalt  }
0x4c: {  	_ =	shalt  }
0x4d: {  	_ =	shalt  }
0x4e: {  	_ =	shalt  }
0x4f: {  	_ =	shalt  }
0x50: {  	_ =	shalt  }
0x51: {  	_ =	shalt  }
0x52: {  	_ =	shalt  }
0x53: {  	_ =	shalt  }
0x54: {  	_ =	shalt  }
0x55: {  	_ =	shalt  }
0x56: {  	_ =	shalt  }
0x57: {  	_ =	shalt  }
0x58: {  	_ =	shalt  }
0x59: {  	_ =	shalt  }
0x5a: {  	_ =	shalt  }
0x5b: {  	_ =	shalt  }
0x5c: {  	_ =	shalt  }
0x5d: {  	_ =	shalt  }
0x5e: {  	_ =	shalt  }
0x5f: {  	_ =	shalt  }
0x60: {  	_ =	shalt  }
0x61: {  	_ =	shalt  }
0x62: {  	_ =	shalt  }
0x63: {  	_ =	shalt  }
0x64: {  	_ =	shalt  }
0x65: {  	_ =	shalt  }
0x66: {  	_ =	shalt  }
0x67: {  	_ =	shalt  }
0x68: {  	_ =	shalt  }
0x69: {  	_ =	shalt  }
0x6a: {  	_ =	shalt  }
0x6b: {  	_ =	shalt  }
0x6c: {  	_ =	shalt  }
0x6d: {  	_ =	shalt  }
0x6e: {  	_ =	shalt  }
0x6f: {  	_ =	shalt  }
0x70: {  	_ =	shalt  }
0x71: {  	_ =	shalt  }
0x72: {  	_ =	shalt  }
0x73: {  	_ =	shalt  }
0x74: {  	_ =	shalt  }
0x75: {  	_ =	shalt  }
0x76: {  	_ =	shalt  }
0x77: {  	_ =	shalt  }
0x78: {  	_ =	shalt  }
0x79: {  	_ =	shalt  }
0x7a: {  	_ =	shalt  }
0x7b: {  	_ =	shalt  }
0x7c: {  	_ =	shalt  }
0x7d: {  	_ =	shalt  }
0x7e: {  	_ =	shalt  }
0x7f: {  	_ =	shalt  }
0x80: {  	_ =	shalt  }
0x81: {  	_ =	shalt  }
0x82: {  	_ =	shalt  }
0x83: {  	_ =	shalt  }
0x84: {  	_ =	shalt  }
0x85: {  	_ =	shalt  }
0x86: {  	_ =	shalt  }
0x87: {  	_ =	shalt  }
.Lfunc_end0:
.L_simem_size_0:
called_computation_lowered:
.L_overlay_start_0:
0x88: {  	s0 =	sld [smem:$0x3FD9]  }
0x89: {  	s1 =	sld [smem:$0x3FFE];
	_ =	sdelay $0x3  }
0x8a: {  	s0 =	sadd.s32 s1, s0  }
0x8b: {  	[smem:$0x3FC5] =	sst s0  }
0x8c: {  	_ = 	snop  }
0x8d: {  	s0 =	sld [smem:$0x3FC7];
	(tm) =	ssettm $0x1  }
0x8e: {  	s16 =	sld [smem:$0x3FFB];
	_ =	sdelay $0x3  }
0x8f: {  	_ =	strace s16  }
0x90: {  	s1 =	sld [smem:$0x3FFC];
	_ =	sdelay $0x3  }
0x91: {  	_ =	strace s1  }
0x92: {  	s1 =	sld [smem:$0x3FFD];
	_ =	sdelay $0x3  }
0x93: {  	_ =	strace s1  }
0x94: {  	_ =	strace $0x8FFFFFFF  }
0x95: {  	s17 =	sld [smem:$0x3FDB];
	_ =	sdelay $0x1  }
0x96: {  	s2 =	simm.s32 $_scs_section_size  }
0x97: {  	s3 =	simm.s32 $_size__tile_overlayer_lowered;
	s4 =	simm.s32 $_tile_overlayer_lowered  }
0x98: {  	s20 =	simm.s32 $0x1BFF;
	s19 =	sshll.u32 s4, $0x1;
	s1 =	sadd.s32 s2, s17  }
0x99: {  	s5 =	simm.s32 $0x0;
	s18 =	sshll.u32 s3, $0x1;
	s3 =	sadd.s32 s19, s1  }
0x9a: {  	[timem:s5], [sflag:s20] =	dma.local [hbm:s3], s18  }
0x9b: {  	_ =	swait.ge [sflag:s20], s18  }
0x9c: {  	s2 =	ssub.s32 $0x0, s18;
	[sflag:s20] =	ssyncset.done $0x0  }
0x9d: {  	[sflag:s20] =	ssyncadd.s32 s2;
	_ =	sdelay $0x1  }
0x9e: {  	s21 =	simm.s32 $0x1B8B  }
0x9f: {  	_ =	swait.ge [sflag:s21], $0x1  }
0xa0: {  	[sflag:s21] =	ssyncset.done $0x0  }
0xa1: {  	s23 =	simm.s32 $0x1B8E;
	s22 =	sld [smem:$0x3FFE];
	[sflag:s21] =	ssyncadd.s32 $0xFFFFFFFF  }
0xa2: {  	s24 =	simm.s32 $execute0_lowered;
	[smem:$0x3FD2] =	sst s23  }
0xa3: {  	s3 =	sshll.u32 s24, $0x1;
	_ =	strace $0x80000046;
	[dreg:$0x1] =	wrdreg $0xFFFFFFFF  }
0xa4: {  	s25 =	simm.s32 $_size_execute0_lowered;
	s1 =	sadd.s32 s1, s3;
	[dreg:$0x0] =	wrdreg $0x0  }
0xa5: {  	s3 =	sshll.u32 s25, $0x1;
	[dreg:$0x2] =	wrdreg s1  }
0xa6: {  	[dreg:$0x3] =	wrdreg s3  }
0xa7: {  	[dreg:$0x4] =	wrdreg $0xC0  }
0xa8: {  	_ =	task [dreg:s5], $0x5FFFF  }
0xa9: {  	[dreg:$0x1] =	wrdreg $0xFFFFFFFF  }
0xaa: {  	[dreg:$0x0] =	wrdreg $0x60  }
0xab: {  	[dreg:$0x2] =	wrdreg s0  }
0xac: {  	[dreg:$0x3] =	wrdreg s22  }
0xad: {  	[dreg:$0x4] =	wrdreg $0x9  }
0xae: {  	_ =	task.clear_ibuf [dreg:s5], $0x5FFFF;
	_ =	strace $0x90000046  }
0xaf: {  	s26 =	simm.s32 $0x9;
	_ =	strace $0x80000048  }
0xb0: {  	_ =	swait.ge [sflag:s26], $0x1  }
0xb1: {  	[sflag:s26] =	ssyncadd.s32 $0xFFFFFFFF  }
0xb2: {  	_ =	strace $0x90000048  }
0xb3: {  	_ =	sfence  }
0xb4: {  	s28 =	sld [smem:$0x0];
	_ =	sdelay $0x1  }
0xb5: {  	s29 =	srdreg.scid  }
0xb6: {  	s30 =	sshll.u32 s29, $0xD;
	s31 =	sshrl.u32 s29, $0x2  }
0xb7: {  	s2 =	sand.u32 $0x4000, s30;
	s1 =	sand.u32 $0x1, s29;
	s0 =	sadd.s32 s31, s28  }
0xb8: {  	s1 =	sor.u32 s2, s1;
	s0 =	sshll.u32 s0, $0x11  }
0xb9: {  	s0 =	sor.u32 s0, s1  }
0xba: {  	s0 =	sadd.s32 $0x8F2B, s0  }
0xbb: {  	[sflag:s0] =	ssyncadd.remote.s32 $0x1  }
0xbc: {  	_ =	sfence.sel $0xFFFF  }
0xbd: {  	[dreg:$0x0] =	wrdreg $0xFFFFFFFF;
	(pc) =	sbr.abs _section_cstart, $3  }
0xbe: {  	[dreg:$0x1] =	wrdreg $0xFFFFFFFF  }
0xbf: {  	_ =	task.clear_ibuf [dreg:s5], $0x2FFFF;
	_ =	strace $0x9FFFFFFF  }
0xc0: {  	(tm) =	ssettm $0x7FFFFFFF  }
0xc1: {  	_ =	shalt  }
tec
execute0_lowered:
.L_overlay_start_1:
0x0: {  	(tag) =	ssettag $0x1  }
0x1: {  	s2 =	rddreg [dreg:$0x0]  }
0x2: {  	s3 =	rddreg [dreg:$0x1]  }
0x3: {  	s0 =	rddreg [dreg:$0x2];
	s1 =	stileid.u32  }
0x4: {  	_ =	strace $0x80000047;
	s6 =	simm.s32 $0x1;
	s8 =	simm.s32 $0x2  }
0x5: {  	s30 =	simm.s32 $0x3;
	s12 =	simm.s32 $0x0;
	s4 =	sshll.u32 s1, $0x4  }
0x6: {  	s9 =	simm.s32 $0x0;
	s10 =	simm.s32 $0x0;
	s7 =	ssub.s32 $0x1380, s4  }
0x7: {  	s5 =	sadd.s32 $0x14C00, s3;
	[sflag:s6] =	ssyncpa.u1 $0x0;
	s6 =	sshrl.u32 s7, $0x8  }
0x8: {  	[sflag:s8] =	ssyncpa.u1 $0x0;
	s11 =	smov.u32 s4;
	s31 =	sshll.u32 s6, $0x4  }
0x9: {  	[sflag:s30] =	ssyncpa.u1 $0x0;
	s7 =	sadd.s32 $0x2, s6;
	s8 =	sadd.s32 $0x30, s31  }
.LBB2_1:
0xa: {  	p0 =	sgt.u32 s10, s6  }
0xb: {  	s13 =	sxor.u32 @!p0 $0xFFFFFFFF, s9;
	s14 =	sshrl.u32 @!p0 s11, $0x3  }
0xc: {  	s15 =	sand.u32 @!p0 $0x7, s11;
	s13 =	sand.u32 @!p0 $0x10, s13;
	s14 =	sadd.s32 @!p0 s3, s14  }
0xd: {  	[tilespmem:s13], [sflag:$0x2] =	stream.linear.gather @!p0 [hbm4b:s14+s15], $0x10, $0x38;
	[tilespmem:$0x40] =	vst v63  }
0xe: {  	p0 =	seq.s32 s9, $0x0  }
0xf: {  	p1 =	sge.u32 @!p0 s10, s7  }
0x10: {  	p0 =	por p1, p0  }
0x11: {  	s13 =	simm.s32 @!p0 $0x2  }
0x12: {  	_ =	swait.ge @!p0 [sflag:s13], $0x10  }
0x13: {  	[sflag:s13] =	ssyncset.done @!p0 $0x0  }
0x14: {  	[sflag:s13] =	ssyncadd.s32 @!p0 $0xFFFFFFF0;
	s13 =	sand.u32 @!p0 $0x10, s9  }
0x15: {  	(ifvalue) =	ssetifvalue @!p0 $0x7FFFFFFF;
	v0 =	vld.msk @!p0 [tilespmem:s13+$0x0 ss:$0x1], $0xffff;
	_ =	sdelay $0x4  }
0x16: {  	vm0 =	vgt.s32 @!p0 v0, $0x0  }
0x17: {  	v0 =	vnsel @!p0 vm0, $0x0, v0  }
0x18: {  	v0 =	vmin.u32 @!p0 v0, $0x1387;
	_ =	sdelay $0x3  }
0x19: {  	s14 =	simm.s32 @!p0 $0x0;
	s13 =	sor.u32 @!p0 $0x20, s13;
	(ifvalue) =	ssetifvalue @!p0 $0x7FFFFFFF;
	vm0 =	vmmov @!p0 $0xffff  }
0x1a: {  	[tilespmem:s13], [sflag:$0x1] =	stream.indirect_vreg.gather @!p0 [hbm4b:s2+s14], $0x1, v0, vm0, $0x4038;
	[tilespmem:$0x40] =	vst v63  }
0x1b: {  	s14 =	simm.s32 @!p0 $0x1  }
0x1c: {  	_ =	swait.ge @!p0 [sflag:s14], $0x10  }
0x1d: {  	s15 =	sshrl.u32 @!p0 s12, $0x3;
	[sflag:s14] =	ssyncset.done @!p0 $0x0  }
0x1e: {  	s12 =	sand.u32 @!p0 $0x7, s12;
	[sflag:s14] =	ssyncadd.s32 @!p0 $0xFFFFFFF0;
	s14 =	sadd.s32 @!p0 s5, s15  }
0x1f: {  	[hbm4b:s14+s12] =	stream.linear.scatter @!p0 [tilespmem:s13], [sflag:$0x3], $0x10, $0x38;
	[tilespmem:$0x40] =	vst v63  }
0x20: {  	s14 =	sadd.s32 $0x100, s11  }
0x21: {  	s9 =	sadd.s32 $0x10, s9;
	p1 =	sgt.s32 s14, $0x1387  }
0x22: {  	s14 =	smov.u32 @p1 s4;
	p1 =	sne.s32 s8, s9  }
.Ltmp0:
0x23: {  	p0 =	slt.u32 s10, $0x2;
	(pc) =	sbr.rel @p1 .LBB2_1-.Ltmp0, $4  }
0x24: {  	s13 =	simm.s32 @!p0 $0x3  }
0x25: {  	_ =	swait.ge @!p0 [sflag:s13], $0x10  }
0x26: {  	s12 =	smov.u32 s11;
	[sflag:s13] =	ssyncset.done @!p0 $0x0  }
0x27: {  	s10 =	sadd.s32 $0x1, s10;
	s11 =	smov.u32 s14;
	[sflag:s13] =	ssyncadd.s32 @!p0 $0xFFFFFFF0  }
0x28: {  	_ =	sfence.sel $0x180000  }
0x29: {  	s2 =	simm.s32 $0x2;
	[bflag:$0x0] =	sbarrier.arrive $0xFFFF  }
0x2a: {  	s30 =	simm.s32 $0x3;
	[sflag:s2] =	ssyncpa.u1 $0x1  }
0x2b: {  	s31 =	simm.s32 $0x1;
	[sflag:s30] =	ssyncpa.u1 $0x1  }
0x2c: {  	[sflag:s31] =	ssyncpa.u1 $0x1  }
0x2d: {  	p0 =	sne.s32 s1, $0x0;
	_ =	strace $0x90000047  }
0x2e: {  	s0 =	sadd.s32 @!p0 $0x100000, s0;
	[bflag:$0x2] =	sbarrier.arrive $0xFFFF  }
0x2f: {  	[sflag:s0] =	ssyncadd.tile.s32 @!p0 $0x1;
	_ =	shalt  }
.Lfunc_end2:
_tile_overlayer_lowered:
.L_overlay_start_2:
0x30: {  	(tag) =	ssettag $0x2  }
0x31: {  	s0 =	rddreg [dreg:$0x0];
	s2 =	stileid.u32  }
0x32: {  	s1 =	rddreg [dreg:$0x1];
	p0 =	sne.s32 s2, $0x0  }
0x33: {  	s3 =	rddreg [dreg:$0x2];
	[bflag:$0x3] =	sbarrier.arrive $0xFFFF;
	s2 =	simm.s32 @!p0 $0x1C01  }
0x34: {  	[timem:s3], [sflag:s2] =	dma.local @!p0 [hbm:s0], s1  }
0x35: {  	s0 =	simm.s32 @!p0 $0x1  }
0x36: {  	_ =	swait.ge @!p0 [sflag:s0], s1  }
0x37: {  	s1 =	ssub.s32 @!p0 $0x0, s1;
	[sflag:s0] =	ssyncset.done @!p0 $0x0  }
0x38: {  	[sflag:s0] =	ssyncadd.s32 @!p0 s1  }
0x39: {  	[bflag:$0x3] =	sbarrier.arrive $0xFFFF  }
0x3a: {  	_ =	shalt  }

</sc_bundles>
